<compile_context>
chip_gen: v7x
topology: tpu7x:2x2x1
jax: 0.10.2.dev20260603
libtpu: 0.0.44.dev20260713+nightly
codegen_flags: <defaults>
</compile_context>

<pallas_src>
import functools

import jax
import jax.numpy as jnp
from jax import lax
from jax.experimental import pallas as pl
from jax.experimental.pallas import tpu as pltpu
from jax.experimental.pallas import tpu_sc as plsc

G = 16
RW = 128
CS = 128



def _sc_degree(dst_t, ones_rows, zrows, npad, ch, nc, ns):
  rows_pt = npad // ns
  mesh = plsc.VectorSubcoreMesh(core_axis_name="c", subcore_axis_name="s")

  @functools.partial(
      pl.kernel,
      out_type=jax.ShapeDtypeStruct((nc, npad, RW), jnp.float32),
      mesh=mesh,
      scratch_types=[
          pltpu.VMEM((CS,), jnp.int32),
          pltpu.VMEM((CS, RW), jnp.float32),
          pltpu.VMEM_SHARED((npad, RW), jnp.float32),
      ],
  )
  def deg_kernel(dst_hbm, ones_hbm, z_hbm, out_hbm, idx_v, ones_v, acc):
    c = lax.axis_index("c")
    s = lax.axis_index("s")
    wid = s * nc + c
    pltpu.sync_copy(ones_hbm, ones_v)
    pltpu.sync_copy(z_hbm, acc.at[pl.ds(s * rows_pt, rows_pt)])
    plsc.subcore_barrier()

    def body(j, carry):
      pltpu.sync_copy(dst_hbm.at[wid, j], idx_v)
      pltpu.sync_copy(ones_v, acc.at[idx_v], add=True)
      return carry

    lax.fori_loop(0, ch, body, 0)
    plsc.subcore_barrier()
    sl = pl.ds(s * rows_pt, rows_pt)
    pltpu.sync_copy(acc.at[sl], out_hbm.at[c, sl])

  return deg_kernel(dst_t, ones_rows, zrows)


def _sc_aggregate(z, src_t, dst_t, zrows, npad, ch2, nc, ns):
  rows_pt = npad // ns
  mesh = plsc.VectorSubcoreMesh(core_axis_name="c", subcore_axis_name="s")

  @functools.partial(
      pl.kernel,
      out_type=jax.ShapeDtypeStruct((nc, npad, RW), jnp.float32),
      mesh=mesh,
      scratch_types=[
          pltpu.VMEM((ch2 + 2, CS), jnp.int32),
          pltpu.VMEM((CS,), jnp.int32),
          pltpu.VMEM((CS,), jnp.int32),
          pltpu.VMEM((CS, RW), jnp.float32),
          pltpu.VMEM((CS, RW), jnp.float32),
          pltpu.VMEM_SHARED((npad, RW), jnp.float32),
          pltpu.SemaphoreType.DMA,
          pltpu.SemaphoreType.DMA,
          pltpu.SemaphoreType.DMA,
          pltpu.SemaphoreType.DMA,
      ],
  )
  def agg_kernel(z_hbm, src_hbm, dst_hbm, zr_hbm, out_hbm,
                 src_all, d0, d1, r0, r1, acc, g0, g1, i0, i1):
    c = lax.axis_index("c")
    s = lax.axis_index("s")
    wid = s * nc + c
    pltpu.sync_copy(src_hbm.at[wid], src_all)
    pltpu.sync_copy(zr_hbm, acc.at[pl.ds(s * rows_pt, rows_pt)])
    plsc.subcore_barrier()

    pltpu.async_copy(z_hbm.at[src_all.at[0]], r0, g0)
    pltpu.async_copy(z_hbm.at[src_all.at[1]], r1, g1)
    pltpu.async_copy(dst_hbm.at[wid, 0], d0, i0)
    pltpu.async_copy(dst_hbm.at[wid, 1], d1, i1)

    def body(i, carry):
      j = 2 * i
      pltpu.make_async_copy(z_hbm.at[src_all.at[j]], r0, g0).wait()
      pltpu.make_async_copy(dst_hbm.at[wid, j], d0, i0).wait()
      pltpu.sync_copy(r0, acc.at[d0], add=True)
      pltpu.async_copy(z_hbm.at[src_all.at[j + 2]], r0, g0)
      pltpu.async_copy(dst_hbm.at[wid, j + 2], d0, i0)
      pltpu.make_async_copy(z_hbm.at[src_all.at[j + 1]], r1, g1).wait()
      pltpu.make_async_copy(dst_hbm.at[wid, j + 1], d1, i1).wait()
      pltpu.sync_copy(r1, acc.at[d1], add=True)
      pltpu.async_copy(z_hbm.at[src_all.at[j + 3]], r1, g1)
      pltpu.async_copy(dst_hbm.at[wid, j + 3], d1, i1)
      return carry

    lax.fori_loop(0, ch2 // 2, body, 0)
    pltpu.make_async_copy(z_hbm.at[src_all.at[ch2]], r0, g0).wait()
    pltpu.make_async_copy(z_hbm.at[src_all.at[ch2 + 1]], r1, g1).wait()
    pltpu.make_async_copy(dst_hbm.at[wid, ch2], d0, i0).wait()
    pltpu.make_async_copy(dst_hbm.at[wid, ch2 + 1], d1, i1).wait()
    plsc.subcore_barrier()
    sl = pl.ds(s * rows_pt, rows_pt)
    pltpu.sync_copy(acc.at[sl], out_hbm.at[c, sl])

  return agg_kernel(z, src_t, dst_t, zrows)



def _tc_first(x, w0, degp, n):

  def body(x_ref, w_ref, d_ref, z_ref, dis_ref):
    deg = d_ref[0, :n, 0:1] + d_ref[1, :n, 0:1] + 1.0
    dis = lax.rsqrt(deg)
    dis_ref[...] = dis
    z = jnp.dot(x_ref[...], w_ref[...],
                preferred_element_type=jnp.float32) * dis
    z_ref[...] = jnp.concatenate(
        [z, jnp.zeros((n, RW - z.shape[1]), jnp.float32)], axis=1)

  return pl.pallas_call(
      body,
      out_shape=(jax.ShapeDtypeStruct((n, RW), jnp.float32),
                 jax.ShapeDtypeStruct((n, 1), jnp.float32)),
  )(x, w0, degp)


def _tc_mid(aggp, z1, dis, b0, w1, n, h):

  def body(a_ref, z_ref, dis_ref, b_ref, w_ref, z2_ref):
    agg = a_ref[0, :n, :h] + a_ref[1, :n, :h]
    h1 = jnp.maximum(
        dis_ref[...] * (agg + z_ref[:, :h]) + b_ref[...], 0.0)
    z2 = jnp.dot(h1, w_ref[...],
                 preferred_element_type=jnp.float32) * dis_ref[...]
    z2_ref[...] = jnp.concatenate(
        [z2, jnp.zeros((n, RW - h), jnp.float32)], axis=1)

  return pl.pallas_call(
      body,
      out_shape=jax.ShapeDtypeStruct((n, RW), jnp.float32),
  )(aggp, z1, dis, b0, w1)


def _tc_last(aggp, z2, dis, b1, n, h):

  def body(a_ref, z_ref, dis_ref, b_ref, o_ref):
    agg = a_ref[0, :n, :h] + a_ref[1, :n, :h]
    o_ref[...] = jnp.maximum(
        dis_ref[...] * (agg + z_ref[:, :h]) + b_ref[...], 0.0)

  return pl.pallas_call(
      body,
      out_shape=jax.ShapeDtypeStruct((n, h), jnp.float32),
  )(aggp, z2, dis, b1)



CT = 2000
CTE = CT + 4
F = 3


def _tc_cnn(scalars, xpad, w1t, w2t, bias, n, lseq, cin, h):
  nt = lseq // CT
  lp_half = CT // 2

  def body(s_ref, x_ref, w1_ref, w2_ref, b_ref, out_ref):
    g = pl.program_id(0)
    t = pl.program_id(1)
    o = s_ref[g]
    cnt = s_ref[g + 1] - o
    lp = s_ref[G + 1]

    q = lax.broadcasted_iota(jnp.int32, (CTE, 1), 0)
    p = t * CT - 2 + q

    acc = jnp.zeros((CTE, h), jnp.float32) + b_ref[0:1, :]
    for k in range(3):
      sl = x_ref[pl.ds(o + t * CT + k, CTE), :]
      tap = p + (k - 1)
      m = (tap >= 0) & (tap < cnt)
      acc = acc + jnp.dot(jnp.where(m, sl, 0.0), w1_ref[k],
                          preferred_element_type=jnp.float32)
    c1 = jnp.maximum(acc, 0.0)

    pe = jnp.max(c1.reshape(CTE // 2, 2, h), axis=1)
    jv = t * lp_half - 1 + lax.broadcasted_iota(jnp.int32, (lp_half + 2, 1), 0)
    pm = jnp.where((jv >= 0) & (jv < lp), pe, 0.0)

    c2 = jnp.maximum(
        jnp.dot(pm[0:lp_half], w2_ref[0], preferred_element_type=jnp.float32)
        + jnp.dot(pm[1:lp_half + 1], w2_ref[1],
                  preferred_element_type=jnp.float32)
        + jnp.dot(pm[2:lp_half + 2], w2_ref[2],
                  preferred_element_type=jnp.float32)
        + b_ref[1:2, :], 0.0)
    jc = t * lp_half + lax.broadcasted_iota(jnp.int32, (lp_half, 1), 0)
    c2m = jnp.where(jc < lp, c2, -jnp.inf)
    loc = jnp.max(c2m, axis=0, keepdims=True)[None]

    @pl.when(t == 0)
    def _():
      out_ref[...] = loc

    @pl.when(t > 0)
    def _():
      out_ref[...] = jnp.maximum(out_ref[...], loc)

  grid_spec = pltpu.PrefetchScalarGridSpec(
      num_scalar_prefetch=1,
      grid=(G, nt),
      in_specs=[
          pl.BlockSpec(xpad.shape, lambda g, t, s: (0, 0)),
          pl.BlockSpec(w1t.shape, lambda g, t, s: (0, 0, 0)),
          pl.BlockSpec(w2t.shape, lambda g, t, s: (0, 0, 0)),
          pl.BlockSpec(bias.shape, lambda g, t, s: (0, 0)),
      ],
      out_specs=pl.BlockSpec((1, 1, h), lambda g, t, s: (g, 0, 0)),
  )
  out = pl.pallas_call(
      body,
      grid_spec=grid_spec,
      out_shape=jax.ShapeDtypeStruct((G, 1, h), jnp.float32),
  )(scalars, xpad, w1t, w2t, bias)
  return out[:, 0, :]



def kernel(x, edge_index, batch, W0, b0, W1, b1,
           conv1_w, conv1_b, conv2_w, conv2_b):
  n, cin = x.shape
  h = W0.shape[1]
  e = edge_index.shape[1]
  info = plsc.get_sparse_core_info()
  nc, ns = info.num_cores, info.num_subcores
  nw = nc * ns

  ept = -(-e // nw)
  ch2 = 2 * (-(-ept // (2 * CS)))
  ept_pad = ch2 * CS
  npad = -(-(n + 1) // (8 * ns)) * (8 * ns)

  src = edge_index[0]
  dst = edge_index[1]
  total_pad = nw * ept_pad - e
  src_t = jnp.concatenate(
      [src, jnp.zeros((total_pad,), jnp.int32)]).reshape(nw, ch2, CS)
  src_t = jnp.concatenate(
      [src_t, jnp.zeros((nw, 2, CS), jnp.int32)], axis=1)
  dst_t = jnp.concatenate(
      [dst, jnp.full((total_pad,), n, jnp.int32)]).reshape(nw, ch2, CS)
  dst_t = jnp.concatenate(
      [dst_t, jnp.full((nw, 2, CS), n, jnp.int32)], axis=1)

  ones_rows = jnp.ones((CS, RW), jnp.float32)
  zrows128 = jnp.zeros((npad // ns, RW), jnp.float32)

  degp = _sc_degree(dst_t, ones_rows, zrows128, npad, ch2, nc, ns)
  z1, dis = _tc_first(x, W0, degp, n)
  agg1 = _sc_aggregate(z1, src_t, dst_t, zrows128, npad, ch2, nc, ns)
  z2 = _tc_mid(agg1, z1, dis, b0.reshape(1, h), W1, n, h)
  agg2 = _sc_aggregate(z2, src_t, dst_t, zrows128, npad, ch2, nc, ns)
  h_out = _tc_last(agg2, z2, dis, b1.reshape(1, h), n, h)

  offsets = jnp.searchsorted(batch, jnp.arange(G, dtype=jnp.int32)
                             ).astype(jnp.int32)
  offs_full = jnp.concatenate([offsets, jnp.array([n], jnp.int32)])
  counts = offs_full[1:] - offs_full[:-1]
  lp = (counts.max() // 2).astype(jnp.int32)
  scalars = jnp.concatenate([offs_full, lp[None]])

  lseq = n
  nxp = F + n + lseq + 16
  nxp = -(-nxp // 8) * 8
  xpad = jnp.zeros((nxp, cin), jnp.float32).at[F:F + n].set(x)
  w1t = jnp.transpose(conv1_w, (2, 1, 0))
  w2t = jnp.transpose(conv2_w, (2, 1, 0))
  bias = jnp.stack([conv1_b, conv2_b])

  global_reps = _tc_cnn(scalars, xpad, w1t, w2t, bias, n, lseq, cin, h)
  return (h_out, global_reps)

# --- scband reference (transcript-rebuilt; emitter-appended) ---
"""Pipeline reference for scband-link-predictor-global-model-79405355368558 (READ-ONLY COPY).

The authoritative reference and input builder live on the scoring server;
editing this copy changes nothing except your own understanding.
"""

import jax, jax.numpy as jnp
import numpy as np

N, E, CIN, H, G = 10000, 320000, 128, 64, 16


def gcn_conv(x, W, b, src, dst, n):
    xw = x @ W
    loop = jnp.arange(n)
    src2 = jnp.concatenate([src, loop])
    dst2 = jnp.concatenate([dst, loop])
    deg = jnp.zeros((n,), xw.dtype).at[dst2].add(1.0)
    dis = jnp.where(deg > 0, 1.0 / jnp.sqrt(deg), 0.0)
    norm = dis[src2] * dis[dst2]
    msgs = xw[src2] * norm[:, None]
    out = jnp.zeros_like(xw).at[dst2].add(msgs)
    return out + b


def conv1d(x, w, b):
    # x: [B, C_in, L], w: [C_out, C_in, K] (OIH), padding=1
    y = jax.lax.conv_general_dilated(x, w, window_strides=(1,), padding=((1, 1),), dimension_numbers=('NCH', 'OIH', 'NCH'))
    return y + b[None, :, None]


def maxpool2(x):
    return jax.lax.reduce_window(x, -jnp.inf, jax.lax.max, window_dimensions=(1, 1, 2), window_strides=(1, 1, 2), padding='VALID')


def setup_inputs(seed: int = 0) -> dict:
    key = jax.random.key(seed)
    ks = jax.random.split(key, 12)
    x = jax.random.normal(ks[0], (N, CIN), jnp.float32)
    edge_index = jax.random.randint(ks[1], (2, E), 0, N, dtype=jnp.int32)
    batch = jnp.sort(jax.random.randint(ks[2], (N,), 0, G, dtype=jnp.int32))
    W0 = jax.random.normal(ks[3], (CIN, H), jnp.float32) * (1.0 / np.sqrt(CIN))
    b0 = jnp.zeros((H,), jnp.float32)
    W1 = jax.random.normal(ks[4], (H, H), jnp.float32) * (1.0 / np.sqrt(H))
    b1 = jnp.zeros((H,), jnp.float32)
    conv1_w = jax.random.normal(ks[5], (H, CIN, 3), jnp.float32) * (1.0 / np.sqrt(CIN * 3))
    conv1_b = jnp.zeros((H,), jnp.float32)
    conv2_w = jax.random.normal(ks[6], (H, H, 3), jnp.float32) * (1.0 / np.sqrt(H * 3))
    conv2_b = jnp.zeros((H,), jnp.float32)
    return {"x": x, "edge_index": edge_index, "batch": batch, "W0": W0, "b0": b0, "W1": W1, "b1": b1, "conv1_w": conv1_w, "conv1_b": conv1_b, "conv2_w": conv2_w, "conv2_b": conv2_b}


def reference(x, edge_index, batch, W0, b0, W1, b1, conv1_w, conv1_b, conv2_w, conv2_b):
    src, dst = edge_index[0], edge_index[1]
    n = x.shape[0]
    # GCN stack (dropout=0.0, eval mode -> no-op)
    h = jax.nn.relu(gcn_conv(x, W0, b0, src, dst, n))
    h = jax.nn.relu(gcn_conv(h, W1, b1, src, dst, n))
    # to_dense_batch (batch is sorted / nondecreasing)
    g = G
    offsets = jnp.searchsorted(batch, jnp.arange(g))
    pos = jnp.arange(n) - offsets[batch]
    counts = jnp.bincount(batch, length=g)
    maxn = counts.max()
    x_dense = jnp.zeros((g, n, x.shape[1]), x.dtype).at[batch, pos].set(x)
    x_dense = jnp.transpose(x_dense, (0, 2, 1))  # [G, C_in, n]
    # CNN encoder
    y = jax.nn.relu(conv1d(x_dense, conv1_w, conv1_b))
    y = maxpool2(y)
    lp = maxn // 2
    cols = jnp.arange(y.shape[-1])
    y = jnp.where(cols[None, None, :] < lp, y, 0.0)
    y = jax.nn.relu(conv1d(y, conv2_w, conv2_b))
    y = jnp.where(cols[None, None, :] < lp, y, -jnp.inf)
    global_reps = jnp.max(y, axis=-1)  # AdaptiveMaxPool1d(1) + squeeze
    return (h, global_reps)

if __name__ == "__main__":
    import jax
    _d = setup_inputs()
    print(jax.jit(kernel)(*tuple(_d.values())))

</pallas_src>

<mosaic_0001>
#map = affine_map<(d0, d1) -> (0, 0)>
#map1 = affine_map<(d0, d1) -> (0, 0, 0)>
module attributes {stable_mosaic.version = 14 : i64} {
  func.func @agg_kernel(%arg0: i32, %arg1: i32, %arg2: memref<10000x128xf32, #tpu.memory_space<hbm>>, %arg3: memref<32x82x128xi32, #tpu.memory_space<hbm>>, %arg4: memref<32x82x128xi32, #tpu.memory_space<hbm>>, %arg5: memref<632x128xf32, #tpu.memory_space<hbm>>, %arg6: memref<2x10112x128xf32, #tpu.memory_space<hbm>>, %arg7: memref<82x128xi32, #tpu.memory_space<vmem>>, %arg8: memref<128xi32, #tpu.memory_space<vmem>>, %arg9: memref<128xi32, #tpu.memory_space<vmem>>, %arg10: memref<128x128xf32, #tpu.memory_space<vmem>>, %arg11: memref<128x128xf32, #tpu.memory_space<vmem>>, %arg12: memref<10112x128xf32, #tpu.memory_space<vmem_shared>>, %arg13: memref<!tpu.dma_semaphore, #tpu.memory_space<semaphore_mem>>, %arg14: memref<!tpu.dma_semaphore, #tpu.memory_space<semaphore_mem>>, %arg15: memref<!tpu.dma_semaphore, #tpu.memory_space<semaphore_mem>>, %arg16: memref<!tpu.dma_semaphore, #tpu.memory_space<semaphore_mem>>) attributes {dimension_semantics = [#tpu.dimension_semantics<core_parallel>, #tpu.dimension_semantics<subcore_parallel>], iteration_bounds = array<i64: 2, 16>, scalar_prefetch = 0 : i64, scratch_operands = 10 : i64, tpu.core_type = #tpu.core_type<sc_vector_subcore>, window_params = [{transform_indices = #map}, {transform_indices = #map1}, {transform_indices = #map1}, {transform_indices = #map}, {transform_indices = #map1}]} {
    %mul3A = arith.constant 2 : i32
    %mul3A_0 = arith.muli %arg1, %mul3A : i32
    %add3A = arith.addi %mul3A_0, %arg0 : i32
    "tpu.region"() ({
      %run_scoped3A = tpu.sem_alloc : memref<!tpu.dma_semaphore, #tpu.memory_space<semaphore_mem>>
      %dma_start3A_65 = arith.constant 0 : i32
      %dma_start3A_66 = arith.constant 0 : i32
      %dma_start3A_67 = tpu.memref_slice %arg3[%add3A, %dma_start3A_65, %dma_start3A_66] : memref<32x82x128xi32, #tpu.memory_space<hbm>> -> memref<1x82x128xi32, #tpu.memory_space<hbm>>
      %dma_start3A_68 = tpu.memref_squeeze %dma_start3A_67 : memref<1x82x128xi32, #tpu.memory_space<hbm>> -> memref<82x128xi32, #tpu.memory_space<hbm>>
      %dma_start3A_69 = arith.constant 0 : i32
      %dma_start3A_70 = arith.constant 0 : i32
      %dma_start3A_71 = tpu.memref_slice %arg3[%add3A, %dma_start3A_69, %dma_start3A_70] : memref<32x82x128xi32, #tpu.memory_space<hbm>> -> memref<1x82x128xi32, #tpu.memory_space<hbm>>
      %dma_start3A_72 = tpu.memref_squeeze %dma_start3A_71 : memref<1x82x128xi32, #tpu.memory_space<hbm>> -> memref<82x128xi32, #tpu.memory_space<hbm>>
      tpu.enqueue_dma source(%dma_start3A_72 : memref<82x128xi32, #tpu.memory_space<hbm>>) target(%arg7 : memref<82x128xi32, #tpu.memory_space<vmem>>) target_semaphore(%run_scoped3A : memref<!tpu.dma_semaphore, #tpu.memory_space<semaphore_mem>>)
      %dma_wait3A_73 = arith.constant 0 : i32
      %dma_wait3A_74 = arith.constant 0 : i32
      %dma_wait3A_75 = tpu.memref_slice %arg3[%add3A, %dma_wait3A_73, %dma_wait3A_74] : memref<32x82x128xi32, #tpu.memory_space<hbm>> -> memref<1x82x128xi32, #tpu.memory_space<hbm>>
      %dma_wait3A_76 = tpu.memref_squeeze %dma_wait3A_75 : memref<1x82x128xi32, #tpu.memory_space<hbm>> -> memref<82x128xi32, #tpu.memory_space<hbm>>
      %dma_wait3A_77 = arith.constant 0 : i32
      %dma_wait3A_78 = arith.constant 0 : i32
      %dma_wait3A_79 = tpu.memref_slice %arg3[%add3A, %dma_wait3A_77, %dma_wait3A_78] : memref<32x82x128xi32, #tpu.memory_space<hbm>> -> memref<1x82x128xi32, #tpu.memory_space<hbm>>
      %dma_wait3A_80 = tpu.memref_squeeze %dma_wait3A_79 : memref<1x82x128xi32, #tpu.memory_space<hbm>> -> memref<82x128xi32, #tpu.memory_space<hbm>>
      tpu.wait_dma2 semaphore(%run_scoped3A : memref<!tpu.dma_semaphore, #tpu.memory_space<semaphore_mem>>) src(%dma_wait3A_80 : memref<82x128xi32, #tpu.memory_space<hbm>>) dst(%arg7 : memref<82x128xi32, #tpu.memory_space<vmem>>)
      tpu.yield
    }) : () -> ()
    %mul3A_1 = arith.constant 632 : i32
    %mul3A_2 = arith.muli %arg1, %mul3A_1 : i32
    "tpu.region"() ({
      %run_scoped3A = tpu.sem_alloc : memref<!tpu.dma_semaphore, #tpu.memory_space<semaphore_mem>>
      %dma_start3A_65 = arith.constant 0 : i32
      %dma_start3A_66 = tpu.memref_slice %arg12[%mul3A_2, %dma_start3A_65] : memref<10112x128xf32, #tpu.memory_space<vmem_shared>> -> memref<632x128xf32, #tpu.memory_space<vmem_shared>>
      tpu.enqueue_dma source(%arg5 : memref<632x128xf32, #tpu.memory_space<hbm>>) target(%dma_start3A_66 : memref<632x128xf32, #tpu.memory_space<vmem_shared>>) target_semaphore(%run_scoped3A : memref<!tpu.dma_semaphore, #tpu.memory_space<semaphore_mem>>)
      %dma_wait3A_67 = arith.constant 0 : i32
      %dma_wait3A_68 = tpu.memref_slice %arg12[%mul3A_2, %dma_wait3A_67] : memref<10112x128xf32, #tpu.memory_space<vmem_shared>> -> memref<632x128xf32, #tpu.memory_space<vmem_shared>>
      tpu.wait_dma2 semaphore(%run_scoped3A : memref<!tpu.dma_semaphore, #tpu.memory_space<semaphore_mem>>) src(%arg5 : memref<632x128xf32, #tpu.memory_space<hbm>>) dst(%dma_wait3A_68 : memref<632x128xf32, #tpu.memory_space<vmem_shared>>)
      tpu.yield
    }) : () -> ()
    %barrier3A = arith.constant 0 : index
    tpu.barrier barrier_id(%barrier3A)
    %dma_start3A = arith.constant 0 : i32
    %dma_start3A_3 = arith.constant 0 : i32
    %dma_start3A_4 = tpu.memref_slice %arg7[%dma_start3A, %dma_start3A_3] : memref<82x128xi32, #tpu.memory_space<vmem>> -> memref<1x128xi32, #tpu.memory_space<vmem>>
    %dma_start3A_5 = tpu.memref_squeeze %dma_start3A_4 : memref<1x128xi32, #tpu.memory_space<vmem>> -> memref<128xi32, #tpu.memory_space<vmem>>
    %dma_start3A_6 = arith.constant 0 : i32
    %dma_start3A_7 = arith.constant 0 : i32
    %dma_start3A_8 = tpu.memref_slice %arg2[%dma_start3A_6, %dma_start3A_7] : memref<10000x128xf32, #tpu.memory_space<hbm>> -> memref<10000x128xf32, #tpu.memory_space<hbm>>
    tpu.enqueue_indirect_dma source(%dma_start3A_8 : memref<10000x128xf32, #tpu.memory_space<hbm>>) target(%arg10 : memref<128x128xf32, #tpu.memory_space<vmem>>) offsets(%dma_start3A_5 : memref<128xi32, #tpu.memory_space<vmem>>) semaphore(%arg13 : memref<!tpu.dma_semaphore, #tpu.memory_space<semaphore_mem>>)
    %dma_start3A_9 = arith.constant 1 : i32
    %dma_start3A_10 = arith.constant 0 : i32
    %dma_start3A_11 = tpu.memref_slice %arg7[%dma_start3A_9, %dma_start3A_10] : memref<82x128xi32, #tpu.memory_space<vmem>> -> memref<1x128xi32, #tpu.memory_space<vmem>>
    %dma_start3A_12 = tpu.memref_squeeze %dma_start3A_11 : memref<1x128xi32, #tpu.memory_space<vmem>> -> memref<128xi32, #tpu.memory_space<vmem>>
    %dma_start3A_13 = arith.constant 0 : i32
    %dma_start3A_14 = arith.constant 0 : i32
    %dma_start3A_15 = tpu.memref_slice %arg2[%dma_start3A_13, %dma_start3A_14] : memref<10000x128xf32, #tpu.memory_space<hbm>> -> memref<10000x128xf32, #tpu.memory_space<hbm>>
    tpu.enqueue_indirect_dma source(%dma_start3A_15 : memref<10000x128xf32, #tpu.memory_space<hbm>>) target(%arg11 : memref<128x128xf32, #tpu.memory_space<vmem>>) offsets(%dma_start3A_12 : memref<128xi32, #tpu.memory_space<vmem>>) semaphore(%arg14 : memref<!tpu.dma_semaphore, #tpu.memory_space<semaphore_mem>>)
    %dma_start3A_16 = arith.constant 0 : i32
    %dma_start3A_17 = arith.constant 0 : i32
    %dma_start3A_18 = tpu.memref_slice %arg4[%add3A, %dma_start3A_16, %dma_start3A_17] : memref<32x82x128xi32, #tpu.memory_space<hbm>> -> memref<1x1x128xi32, #tpu.memory_space<hbm>>
    %dma_start3A_19 = tpu.memref_squeeze %dma_start3A_18 : memref<1x1x128xi32, #tpu.memory_space<hbm>> -> memref<128xi32, #tpu.memory_space<hbm>>
    %dma_start3A_20 = arith.constant 0 : i32
    %dma_start3A_21 = tpu.memref_slice %arg4[%add3A, %dma_start3A_16, %dma_start3A_20] : memref<32x82x128xi32, #tpu.memory_space<hbm>> -> memref<1x1x128xi32, #tpu.memory_space<hbm>>
    %dma_start3A_22 = tpu.memref_squeeze %dma_start3A_21 : memref<1x1x128xi32, #tpu.memory_space<hbm>> -> memref<128xi32, #tpu.memory_space<hbm>>
    tpu.enqueue_dma source(%dma_start3A_22 : memref<128xi32, #tpu.memory_space<hbm>>) target(%arg8 : memref<128xi32, #tpu.memory_space<vmem>>) target_semaphore(%arg15 : memref<!tpu.dma_semaphore, #tpu.memory_space<semaphore_mem>>)
    %dma_start3A_23 = arith.constant 1 : i32
    %dma_start3A_24 = arith.constant 0 : i32
    %dma_start3A_25 = tpu.memref_slice %arg4[%add3A, %dma_start3A_23, %dma_start3A_24] : memref<32x82x128xi32, #tpu.memory_space<hbm>> -> memref<1x1x128xi32, #tpu.memory_space<hbm>>
    %dma_start3A_26 = tpu.memref_squeeze %dma_start3A_25 : memref<1x1x128xi32, #tpu.memory_space<hbm>> -> memref<128xi32, #tpu.memory_space<hbm>>
    %dma_start3A_27 = arith.constant 0 : i32
    %dma_start3A_28 = tpu.memref_slice %arg4[%add3A, %dma_start3A_23, %dma_start3A_27] : memref<32x82x128xi32, #tpu.memory_space<hbm>> -> memref<1x1x128xi32, #tpu.memory_space<hbm>>
    %dma_start3A_29 = tpu.memref_squeeze %dma_start3A_28 : memref<1x1x128xi32, #tpu.memory_space<hbm>> -> memref<128xi32, #tpu.memory_space<hbm>>
    tpu.enqueue_dma source(%dma_start3A_29 : memref<128xi32, #tpu.memory_space<hbm>>) target(%arg9 : memref<128xi32, #tpu.memory_space<vmem>>) target_semaphore(%arg16 : memref<!tpu.dma_semaphore, #tpu.memory_space<semaphore_mem>>)
    %scan3A = arith.constant 0 : i32
    %scan3A_30 = arith.constant 0 : i32
    %scan3A_31 = arith.constant 40 : i32
    %scan3A_32 = arith.addi %scan3A_30, %scan3A_31 : i32
    %scan3A_33 = arith.constant 1 : i32
    scf.for %scan3A_65 = %scan3A_30 to %scan3A_32 step %scan3A_33  : i32 {
      %mul3A_66 = arith.constant 2 : i32
      %mul3A_67 = arith.muli %mul3A_66, %scan3A_65 : i32
      %dma_wait3A_68 = arith.constant 0 : i32
      %dma_wait3A_69 = tpu.memref_slice %arg7[%mul3A_67, %dma_wait3A_68] : memref<82x128xi32, #tpu.memory_space<vmem>> -> memref<1x128xi32, #tpu.memory_space<vmem>>
      %dma_wait3A_70 = tpu.memref_squeeze %dma_wait3A_69 : memref<1x128xi32, #tpu.memory_space<vmem>> -> memref<128xi32, #tpu.memory_space<vmem>>
      %dma_wait3A_71 = arith.constant 0 : i32
      %dma_wait3A_72 = arith.constant 0 : i32
      %dma_wait3A_73 = tpu.memref_slice %arg2[%dma_wait3A_71, %dma_wait3A_72] : memref<10000x128xf32, #tpu.memory_space<hbm>> -> memref<10000x128xf32, #tpu.memory_space<hbm>>
      tpu.wait_indirect_dma semaphore(%arg13 : memref<!tpu.dma_semaphore, #tpu.memory_space<semaphore_mem>>) src(%dma_wait3A_73 : memref<10000x128xf32, #tpu.memory_space<hbm>>) dst(%arg10 : memref<128x128xf32, #tpu.memory_space<vmem>>)
      %dma_wait3A_74 = arith.constant 0 : i32
      %dma_wait3A_75 = tpu.memref_slice %arg4[%add3A, %mul3A_67, %dma_wait3A_74] : memref<32x82x128xi32, #tpu.memory_space<hbm>> -> memref<1x1x128xi32, #tpu.memory_space<hbm>>
      %dma_wait3A_76 = tpu.memref_squeeze %dma_wait3A_75 : memref<1x1x128xi32, #tpu.memory_space<hbm>> -> memref<128xi32, #tpu.memory_space<hbm>>
      %dma_wait3A_77 = arith.constant 0 : i32
      %dma_wait3A_78 = tpu.memref_slice %arg4[%add3A, %mul3A_67, %dma_wait3A_77] : memref<32x82x128xi32, #tpu.memory_space<hbm>> -> memref<1x1x128xi32, #tpu.memory_space<hbm>>
      %dma_wait3A_79 = tpu.memref_squeeze %dma_wait3A_78 : memref<1x1x128xi32, #tpu.memory_space<hbm>> -> memref<128xi32, #tpu.memory_space<hbm>>
      tpu.wait_dma2 semaphore(%arg15 : memref<!tpu.dma_semaphore, #tpu.memory_space<semaphore_mem>>) src(%dma_wait3A_79 : memref<128xi32, #tpu.memory_space<hbm>>) dst(%arg8 : memref<128xi32, #tpu.memory_space<vmem>>)
      "tpu.region"() ({
        %run_scoped3A = tpu.sem_alloc : memref<!tpu.dma_semaphore, #tpu.memory_space<semaphore_mem>>
        %dma_start3A_128 = arith.constant 0 : i32
        %dma_start3A_129 = arith.constant 0 : i32
        %dma_start3A_130 = tpu.memref_slice %arg12[%dma_start3A_128, %dma_start3A_129] : memref<10112x128xf32, #tpu.memory_space<vmem_shared>> -> memref<10112x128xf32, #tpu.memory_space<vmem_shared>>
        tpu.enqueue_indirect_dma source(%arg10 : memref<128x128xf32, #tpu.memory_space<vmem>>) target(%dma_start3A_130 : memref<10112x128xf32, #tpu.memory_space<vmem_shared>>) offsets(%arg8 : memref<128xi32, #tpu.memory_space<vmem>>) semaphore(%run_scoped3A : memref<!tpu.dma_semaphore, #tpu.memory_space<semaphore_mem>>) {add = true}
        %dma_wait3A_131 = arith.constant 0 : i32
        %dma_wait3A_132 = arith.constant 0 : i32
        %dma_wait3A_133 = tpu.memref_slice %arg12[%dma_wait3A_131, %dma_wait3A_132] : memref<10112x128xf32, #tpu.memory_space<vmem_shared>> -> memref<10112x128xf32, #tpu.memory_space<vmem_shared>>
        tpu.wait_indirect_dma semaphore(%run_scoped3A : memref<!tpu.dma_semaphore, #tpu.memory_space<semaphore_mem>>) src(%arg10 : memref<128x128xf32, #tpu.memory_space<vmem>>) dst(%dma_wait3A_133 : memref<10112x128xf32, #tpu.memory_space<vmem_shared>>)
        tpu.yield
      }) : () -> ()
      %add3A_80 = arith.constant 2 : i32
      %add3A_81 = arith.addi %mul3A_67, %add3A_80 : i32
      %dma_start3A_82 = arith.constant 0 : i32
      %dma_start3A_83 = tpu.memref_slice %arg7[%add3A_81, %dma_start3A_82] : memref<82x128xi32, #tpu.memory_space<vmem>> -> memref<1x128xi32, #tpu.memory_space<vmem>>
      %dma_start3A_84 = tpu.memref_squeeze %dma_start3A_83 : memref<1x128xi32, #tpu.memory_space<vmem>> -> memref<128xi32, #tpu.memory_space<vmem>>
      %dma_start3A_85 = arith.constant 0 : i32
      %dma_start3A_86 = arith.constant 0 : i32
      %dma_start3A_87 = tpu.memref_slice %arg2[%dma_start3A_85, %dma_start3A_86] : memref<10000x128xf32, #tpu.memory_space<hbm>> -> memref<10000x128xf32, #tpu.memory_space<hbm>>
      tpu.enqueue_indirect_dma source(%dma_start3A_87 : memref<10000x128xf32, #tpu.memory_space<hbm>>) target(%arg10 : memref<128x128xf32, #tpu.memory_space<vmem>>) offsets(%dma_start3A_84 : memref<128xi32, #tpu.memory_space<vmem>>) semaphore(%arg13 : memref<!tpu.dma_semaphore, #tpu.memory_space<semaphore_mem>>)
      %add3A_88 = arith.constant 2 : i32
      %add3A_89 = arith.addi %mul3A_67, %add3A_88 : i32
      %dma_start3A_90 = arith.constant 0 : i32
      %dma_start3A_91 = tpu.memref_slice %arg4[%add3A, %add3A_89, %dma_start3A_90] : memref<32x82x128xi32, #tpu.memory_space<hbm>> -> memref<1x1x128xi32, #tpu.memory_space<hbm>>
      %dma_start3A_92 = tpu.memref_squeeze %dma_start3A_91 : memref<1x1x128xi32, #tpu.memory_space<hbm>> -> memref<128xi32, #tpu.memory_space<hbm>>
      %dma_start3A_93 = arith.constant 0 : i32
      %dma_start3A_94 = tpu.memref_slice %arg4[%add3A, %add3A_89, %dma_start3A_93] : memref<32x82x128xi32, #tpu.memory_space<hbm>> -> memref<1x1x128xi32, #tpu.memory_space<hbm>>
      %dma_start3A_95 = tpu.memref_squeeze %dma_start3A_94 : memref<1x1x128xi32, #tpu.memory_space<hbm>> -> memref<128xi32, #tpu.memory_space<hbm>>
      tpu.enqueue_dma source(%dma_start3A_95 : memref<128xi32, #tpu.memory_space<hbm>>) target(%arg8 : memref<128xi32, #tpu.memory_space<vmem>>) target_semaphore(%arg15 : memref<!tpu.dma_semaphore, #tpu.memory_space<semaphore_mem>>)
      %add3A_96 = arith.constant 1 : i32
      %add3A_97 = arith.addi %mul3A_67, %add3A_96 : i32
      %dma_wait3A_98 = arith.constant 0 : i32
      %dma_wait3A_99 = tpu.memref_slice %arg7[%add3A_97, %dma_wait3A_98] : memref<82x128xi32, #tpu.memory_space<vmem>> -> memref<1x128xi32, #tpu.memory_space<vmem>>
      %dma_wait3A_100 = tpu.memref_squeeze %dma_wait3A_99 : memref<1x128xi32, #tpu.memory_space<vmem>> -> memref<128xi32, #tpu.memory_space<vmem>>
      %dma_wait3A_101 = arith.constant 0 : i32
      %dma_wait3A_102 = arith.constant 0 : i32
      %dma_wait3A_103 = tpu.memref_slice %arg2[%dma_wait3A_101, %dma_wait3A_102] : memref<10000x128xf32, #tpu.memory_space<hbm>> -> memref<10000x128xf32, #tpu.memory_space<hbm>>
      tpu.wait_indirect_dma semaphore(%arg14 : memref<!tpu.dma_semaphore, #tpu.memory_space<semaphore_mem>>) src(%dma_wait3A_103 : memref<10000x128xf32, #tpu.memory_space<hbm>>) dst(%arg11 : memref<128x128xf32, #tpu.memory_space<vmem>>)
      %add3A_104 = arith.constant 1 : i32
      %add3A_105 = arith.addi %mul3A_67, %add3A_104 : i32
      %dma_wait3A_106 = arith.constant 0 : i32
      %dma_wait3A_107 = tpu.memref_slice %arg4[%add3A, %add3A_105, %dma_wait3A_106] : memref<32x82x128xi32, #tpu.memory_space<hbm>> -> memref<1x1x128xi32, #tpu.memory_space<hbm>>
      %dma_wait3A_108 = tpu.memref_squeeze %dma_wait3A_107 : memref<1x1x128xi32, #tpu.memory_space<hbm>> -> memref<128xi32, #tpu.memory_space<hbm>>
      %dma_wait3A_109 = arith.constant 0 : i32
      %dma_wait3A_110 = tpu.memref_slice %arg4[%add3A, %add3A_105, %dma_wait3A_109] : memref<32x82x128xi32, #tpu.memory_space<hbm>> -> memref<1x1x128xi32, #tpu.memory_space<hbm>>
      %dma_wait3A_111 = tpu.memref_squeeze %dma_wait3A_110 : memref<1x1x128xi32, #tpu.memory_space<hbm>> -> memref<128xi32, #tpu.memory_space<hbm>>
      tpu.wait_dma2 semaphore(%arg16 : memref<!tpu.dma_semaphore, #tpu.memory_space<semaphore_mem>>) src(%dma_wait3A_111 : memref<128xi32, #tpu.memory_space<hbm>>) dst(%arg9 : memref<128xi32, #tpu.memory_space<vmem>>)
      "tpu.region"() ({
        %run_scoped3A = tpu.sem_alloc : memref<!tpu.dma_semaphore, #tpu.memory_space<semaphore_mem>>
        %dma_start3A_128 = arith.constant 0 : i32
        %dma_start3A_129 = arith.constant 0 : i32
        %dma_start3A_130 = tpu.memref_slice %arg12[%dma_start3A_128, %dma_start3A_129] : memref<10112x128xf32, #tpu.memory_space<vmem_shared>> -> memref<10112x128xf32, #tpu.memory_space<vmem_shared>>
        tpu.enqueue_indirect_dma source(%arg11 : memref<128x128xf32, #tpu.memory_space<vmem>>) target(%dma_start3A_130 : memref<10112x128xf32, #tpu.memory_space<vmem_shared>>) offsets(%arg9 : memref<128xi32, #tpu.memory_space<vmem>>) semaphore(%run_scoped3A : memref<!tpu.dma_semaphore, #tpu.memory_space<semaphore_mem>>) {add = true}
        %dma_wait3A_131 = arith.constant 0 : i32
        %dma_wait3A_132 = arith.constant 0 : i32
        %dma_wait3A_133 = tpu.memref_slice %arg12[%dma_wait3A_131, %dma_wait3A_132] : memref<10112x128xf32, #tpu.memory_space<vmem_shared>> -> memref<10112x128xf32, #tpu.memory_space<vmem_shared>>
        tpu.wait_indirect_dma semaphore(%run_scoped3A : memref<!tpu.dma_semaphore, #tpu.memory_space<semaphore_mem>>) src(%arg11 : memref<128x128xf32, #tpu.memory_space<vmem>>) dst(%dma_wait3A_133 : memref<10112x128xf32, #tpu.memory_space<vmem_shared>>)
        tpu.yield
      }) : () -> ()
      %add3A_112 = arith.constant 3 : i32
      %add3A_113 = arith.addi %mul3A_67, %add3A_112 : i32
      %dma_start3A_114 = arith.constant 0 : i32
      %dma_start3A_115 = tpu.memref_slice %arg7[%add3A_113, %dma_start3A_114] : memref<82x128xi32, #tpu.memory_space<vmem>> -> memref<1x128xi32, #tpu.memory_space<vmem>>
      %dma_start3A_116 = tpu.memref_squeeze %dma_start3A_115 : memref<1x128xi32, #tpu.memory_space<vmem>> -> memref<128xi32, #tpu.memory_space<vmem>>
      %dma_start3A_117 = arith.constant 0 : i32
      %dma_start3A_118 = arith.constant 0 : i32
      %dma_start3A_119 = tpu.memref_slice %arg2[%dma_start3A_117, %dma_start3A_118] : memref<10000x128xf32, #tpu.memory_space<hbm>> -> memref<10000x128xf32, #tpu.memory_space<hbm>>
      tpu.enqueue_indirect_dma source(%dma_start3A_119 : memref<10000x128xf32, #tpu.memory_space<hbm>>) target(%arg11 : memref<128x128xf32, #tpu.memory_space<vmem>>) offsets(%dma_start3A_116 : memref<128xi32, #tpu.memory_space<vmem>>) semaphore(%arg14 : memref<!tpu.dma_semaphore, #tpu.memory_space<semaphore_mem>>)
      %add3A_120 = arith.constant 3 : i32
      %add3A_121 = arith.addi %mul3A_67, %add3A_120 : i32
      %dma_start3A_122 = arith.constant 0 : i32
      %dma_start3A_123 = tpu.memref_slice %arg4[%add3A, %add3A_121, %dma_start3A_122] : memref<32x82x128xi32, #tpu.memory_space<hbm>> -> memref<1x1x128xi32, #tpu.memory_space<hbm>>
      %dma_start3A_124 = tpu.memref_squeeze %dma_start3A_123 : memref<1x1x128xi32, #tpu.memory_space<hbm>> -> memref<128xi32, #tpu.memory_space<hbm>>
      %dma_start3A_125 = arith.constant 0 : i32
      %dma_start3A_126 = tpu.memref_slice %arg4[%add3A, %add3A_121, %dma_start3A_125] : memref<32x82x128xi32, #tpu.memory_space<hbm>> -> memref<1x1x128xi32, #tpu.memory_space<hbm>>
      %dma_start3A_127 = tpu.memref_squeeze %dma_start3A_126 : memref<1x1x128xi32, #tpu.memory_space<hbm>> -> memref<128xi32, #tpu.memory_space<hbm>>
      tpu.enqueue_dma source(%dma_start3A_127 : memref<128xi32, #tpu.memory_space<hbm>>) target(%arg9 : memref<128xi32, #tpu.memory_space<vmem>>) target_semaphore(%arg16 : memref<!tpu.dma_semaphore, #tpu.memory_space<semaphore_mem>>)
    }
    %scan3A_34 = arith.constant 40 : i32
    %dma_wait3A = arith.constant 80 : i32
    %dma_wait3A_35 = arith.constant 0 : i32
    %dma_wait3A_36 = tpu.memref_slice %arg7[%dma_wait3A, %dma_wait3A_35] : memref<82x128xi32, #tpu.memory_space<vmem>> -> memref<1x128xi32, #tpu.memory_space<vmem>>
    %dma_wait3A_37 = tpu.memref_squeeze %dma_wait3A_36 : memref<1x128xi32, #tpu.memory_space<vmem>> -> memref<128xi32, #tpu.memory_space<vmem>>
    %dma_wait3A_38 = arith.constant 0 : i32
    %dma_wait3A_39 = arith.constant 0 : i32
    %dma_wait3A_40 = tpu.memref_slice %arg2[%dma_wait3A_38, %dma_wait3A_39] : memref<10000x128xf32, #tpu.memory_space<hbm>> -> memref<10000x128xf32, #tpu.memory_space<hbm>>
    tpu.wait_indirect_dma semaphore(%arg13 : memref<!tpu.dma_semaphore, #tpu.memory_space<semaphore_mem>>) src(%dma_wait3A_40 : memref<10000x128xf32, #tpu.memory_space<hbm>>) dst(%arg10 : memref<128x128xf32, #tpu.memory_space<vmem>>)
    %dma_wait3A_41 = arith.constant 81 : i32
    %dma_wait3A_42 = arith.constant 0 : i32
    %dma_wait3A_43 = tpu.memref_slice %arg7[%dma_wait3A_41, %dma_wait3A_42] : memref<82x128xi32, #tpu.memory_space<vmem>> -> memref<1x128xi32, #tpu.memory_space<vmem>>
    %dma_wait3A_44 = tpu.memref_squeeze %dma_wait3A_43 : memref<1x128xi32, #tpu.memory_space<vmem>> -> memref<128xi32, #tpu.memory_space<vmem>>
    %dma_wait3A_45 = arith.constant 0 : i32
    %dma_wait3A_46 = arith.constant 0 : i32
    %dma_wait3A_47 = tpu.memref_slice %arg2[%dma_wait3A_45, %dma_wait3A_46] : memref<10000x128xf32, #tpu.memory_space<hbm>> -> memref<10000x128xf32, #tpu.memory_space<hbm>>
    tpu.wait_indirect_dma semaphore(%arg14 : memref<!tpu.dma_semaphore, #tpu.memory_space<semaphore_mem>>) src(%dma_wait3A_47 : memref<10000x128xf32, #tpu.memory_space<hbm>>) dst(%arg11 : memref<128x128xf32, #tpu.memory_space<vmem>>)
    %dma_wait3A_48 = arith.constant 80 : i32
    %dma_wait3A_49 = arith.constant 0 : i32
    %dma_wait3A_50 = tpu.memref_slice %arg4[%add3A, %dma_wait3A_48, %dma_wait3A_49] : memref<32x82x128xi32, #tpu.memory_space<hbm>> -> memref<1x1x128xi32, #tpu.memory_space<hbm>>
    %dma_wait3A_51 = tpu.memref_squeeze %dma_wait3A_50 : memref<1x1x128xi32, #tpu.memory_space<hbm>> -> memref<128xi32, #tpu.memory_space<hbm>>
    %dma_wait3A_52 = arith.constant 0 : i32
    %dma_wait3A_53 = tpu.memref_slice %arg4[%add3A, %dma_wait3A_48, %dma_wait3A_52] : memref<32x82x128xi32, #tpu.memory_space<hbm>> -> memref<1x1x128xi32, #tpu.memory_space<hbm>>
    %dma_wait3A_54 = tpu.memref_squeeze %dma_wait3A_53 : memref<1x1x128xi32, #tpu.memory_space<hbm>> -> memref<128xi32, #tpu.memory_space<hbm>>
    tpu.wait_dma2 semaphore(%arg15 : memref<!tpu.dma_semaphore, #tpu.memory_space<semaphore_mem>>) src(%dma_wait3A_54 : memref<128xi32, #tpu.memory_space<hbm>>) dst(%arg8 : memref<128xi32, #tpu.memory_space<vmem>>)
    %dma_wait3A_55 = arith.constant 81 : i32
    %dma_wait3A_56 = arith.constant 0 : i32
    %dma_wait3A_57 = tpu.memref_slice %arg4[%add3A, %dma_wait3A_55, %dma_wait3A_56] : memref<32x82x128xi32, #tpu.memory_space<hbm>> -> memref<1x1x128xi32, #tpu.memory_space<hbm>>
    %dma_wait3A_58 = tpu.memref_squeeze %dma_wait3A_57 : memref<1x1x128xi32, #tpu.memory_space<hbm>> -> memref<128xi32, #tpu.memory_space<hbm>>
    %dma_wait3A_59 = arith.constant 0 : i32
    %dma_wait3A_60 = tpu.memref_slice %arg4[%add3A, %dma_wait3A_55, %dma_wait3A_59] : memref<32x82x128xi32, #tpu.memory_space<hbm>> -> memref<1x1x128xi32, #tpu.memory_space<hbm>>
    %dma_wait3A_61 = tpu.memref_squeeze %dma_wait3A_60 : memref<1x1x128xi32, #tpu.memory_space<hbm>> -> memref<128xi32, #tpu.memory_space<hbm>>
    tpu.wait_dma2 semaphore(%arg16 : memref<!tpu.dma_semaphore, #tpu.memory_space<semaphore_mem>>) src(%dma_wait3A_61 : memref<128xi32, #tpu.memory_space<hbm>>) dst(%arg9 : memref<128xi32, #tpu.memory_space<vmem>>)
    %barrier3A_62 = arith.constant 0 : index
    tpu.barrier barrier_id(%barrier3A_62)
    %mul3A_63 = arith.constant 632 : i32
    %mul3A_64 = arith.muli %arg1, %mul3A_63 : i32
    "tpu.region"() ({
      %run_scoped3A = tpu.sem_alloc : memref<!tpu.dma_semaphore, #tpu.memory_space<semaphore_mem>>
      %dma_start3A_65 = arith.constant 0 : i32
      %dma_start3A_66 = tpu.memref_slice %arg6[%arg0, %mul3A_64, %dma_start3A_65] : memref<2x10112x128xf32, #tpu.memory_space<hbm>> -> memref<1x632x128xf32, #tpu.memory_space<hbm>>
      %dma_start3A_67 = tpu.memref_squeeze %dma_start3A_66 : memref<1x632x128xf32, #tpu.memory_space<hbm>> -> memref<632x128xf32, #tpu.memory_space<hbm>>
      %dma_start3A_68 = arith.constant 0 : i32
      %dma_start3A_69 = tpu.memref_slice %arg12[%mul3A_64, %dma_start3A_68] : memref<10112x128xf32, #tpu.memory_space<vmem_shared>> -> memref<632x128xf32, #tpu.memory_space<vmem_shared>>
      tpu.enqueue_dma source(%dma_start3A_69 : memref<632x128xf32, #tpu.memory_space<vmem_shared>>) target(%dma_start3A_67 : memref<632x128xf32, #tpu.memory_space<hbm>>) target_semaphore(%run_scoped3A : memref<!tpu.dma_semaphore, #tpu.memory_space<semaphore_mem>>)
      %dma_wait3A_70 = arith.constant 0 : i32
      %dma_wait3A_71 = tpu.memref_slice %arg6[%arg0, %mul3A_64, %dma_wait3A_70] : memref<2x10112x128xf32, #tpu.memory_space<hbm>> -> memref<1x632x128xf32, #tpu.memory_space<hbm>>
      %dma_wait3A_72 = tpu.memref_squeeze %dma_wait3A_71 : memref<1x632x128xf32, #tpu.memory_space<hbm>> -> memref<632x128xf32, #tpu.memory_space<hbm>>
      %dma_wait3A_73 = arith.constant 0 : i32
      %dma_wait3A_74 = tpu.memref_slice %arg12[%mul3A_64, %dma_wait3A_73] : memref<10112x128xf32, #tpu.memory_space<vmem_shared>> -> memref<632x128xf32, #tpu.memory_space<vmem_shared>>
      tpu.wait_dma2 semaphore(%run_scoped3A : memref<!tpu.dma_semaphore, #tpu.memory_space<semaphore_mem>>) src(%dma_wait3A_74 : memref<632x128xf32, #tpu.memory_space<vmem_shared>>) dst(%dma_wait3A_72 : memref<632x128xf32, #tpu.memory_space<hbm>>)
      tpu.yield
    }) : () -> ()
    return
  }
}

#map = affine_map<(d0, d1) -> (0, 0, 0)>
#map1 = affine_map<(d0, d1) -> (0, 0)>
module attributes {stable_mosaic.version = 14 : i64} {
  func.func @deg_kernel(%arg0: i32, %arg1: i32, %arg2: memref<32x82x128xi32, #tpu.memory_space<hbm>>, %arg3: memref<128x128xf32, #tpu.memory_space<hbm>>, %arg4: memref<632x128xf32, #tpu.memory_space<hbm>>, %arg5: memref<2x10112x128xf32, #tpu.memory_space<hbm>>, %arg6: memref<128xi32, #tpu.memory_space<vmem>>, %arg7: memref<128x128xf32, #tpu.memory_space<vmem>>, %arg8: memref<10112x128xf32, #tpu.memory_space<vmem_shared>>) attributes {dimension_semantics = [#tpu.dimension_semantics<core_parallel>, #tpu.dimension_semantics<subcore_parallel>], iteration_bounds = array<i64: 2, 16>, scalar_prefetch = 0 : i64, scratch_operands = 3 : i64, tpu.core_type = #tpu.core_type<sc_vector_subcore>, window_params = [{transform_indices = #map}, {transform_indices = #map1}, {transform_indices = #map1}, {transform_indices = #map}]} {
    %mul3A = arith.constant 2 : i32
    %mul3A_0 = arith.muli %arg1, %mul3A : i32
    %add3A = arith.addi %mul3A_0, %arg0 : i32
    "tpu.region"() ({
      %run_scoped3A = tpu.sem_alloc : memref<!tpu.dma_semaphore, #tpu.memory_space<semaphore_mem>>
      tpu.enqueue_dma source(%arg3 : memref<128x128xf32, #tpu.memory_space<hbm>>) target(%arg7 : memref<128x128xf32, #tpu.memory_space<vmem>>) target_semaphore(%run_scoped3A : memref<!tpu.dma_semaphore, #tpu.memory_space<semaphore_mem>>)
      tpu.wait_dma2 semaphore(%run_scoped3A : memref<!tpu.dma_semaphore, #tpu.memory_space<semaphore_mem>>) src(%arg3 : memref<128x128xf32, #tpu.memory_space<hbm>>) dst(%arg7 : memref<128x128xf32, #tpu.memory_space<vmem>>)
      tpu.yield
    }) : () -> ()
    %mul3A_1 = arith.constant 632 : i32
    %mul3A_2 = arith.muli %arg1, %mul3A_1 : i32
    "tpu.region"() ({
      %run_scoped3A = tpu.sem_alloc : memref<!tpu.dma_semaphore, #tpu.memory_space<semaphore_mem>>
      %dma_start3A = arith.constant 0 : i32
      %dma_start3A_11 = tpu.memref_slice %arg8[%mul3A_2, %dma_start3A] : memref<10112x128xf32, #tpu.memory_space<vmem_shared>> -> memref<632x128xf32, #tpu.memory_space<vmem_shared>>
      tpu.enqueue_dma source(%arg4 : memref<632x128xf32, #tpu.memory_space<hbm>>) target(%dma_start3A_11 : memref<632x128xf32, #tpu.memory_space<vmem_shared>>) target_semaphore(%run_scoped3A : memref<!tpu.dma_semaphore, #tpu.memory_space<semaphore_mem>>)
      %dma_wait3A = arith.constant 0 : i32
      %dma_wait3A_12 = tpu.memref_slice %arg8[%mul3A_2, %dma_wait3A] : memref<10112x128xf32, #tpu.memory_space<vmem_shared>> -> memref<632x128xf32, #tpu.memory_space<vmem_shared>>
      tpu.wait_dma2 semaphore(%run_scoped3A : memref<!tpu.dma_semaphore, #tpu.memory_space<semaphore_mem>>) src(%arg4 : memref<632x128xf32, #tpu.memory_space<hbm>>) dst(%dma_wait3A_12 : memref<632x128xf32, #tpu.memory_space<vmem_shared>>)
      tpu.yield
    }) : () -> ()
    %barrier3A = arith.constant 0 : index
    tpu.barrier barrier_id(%barrier3A)
    %scan3A = arith.constant 0 : i32
    %scan3A_3 = arith.constant 0 : i32
    %scan3A_4 = arith.constant 80 : i32
    %scan3A_5 = arith.addi %scan3A_3, %scan3A_4 : i32
    %scan3A_6 = arith.constant 1 : i32
    scf.for %scan3A_11 = %scan3A_3 to %scan3A_5 step %scan3A_6  : i32 {
      "tpu.region"() ({
        %run_scoped3A = tpu.sem_alloc : memref<!tpu.dma_semaphore, #tpu.memory_space<semaphore_mem>>
        %dma_start3A = arith.constant 0 : i32
        %dma_start3A_12 = tpu.memref_slice %arg2[%add3A, %scan3A_11, %dma_start3A] : memref<32x82x128xi32, #tpu.memory_space<hbm>> -> memref<1x1x128xi32, #tpu.memory_space<hbm>>
        %dma_start3A_13 = tpu.memref_squeeze %dma_start3A_12 : memref<1x1x128xi32, #tpu.memory_space<hbm>> -> memref<128xi32, #tpu.memory_space<hbm>>
        %dma_start3A_14 = arith.constant 0 : i32
        %dma_start3A_15 = tpu.memref_slice %arg2[%add3A, %scan3A_11, %dma_start3A_14] : memref<32x82x128xi32, #tpu.memory_space<hbm>> -> memref<1x1x128xi32, #tpu.memory_space<hbm>>
        %dma_start3A_16 = tpu.memref_squeeze %dma_start3A_15 : memref<1x1x128xi32, #tpu.memory_space<hbm>> -> memref<128xi32, #tpu.memory_space<hbm>>
        tpu.enqueue_dma source(%dma_start3A_16 : memref<128xi32, #tpu.memory_space<hbm>>) target(%arg6 : memref<128xi32, #tpu.memory_space<vmem>>) target_semaphore(%run_scoped3A : memref<!tpu.dma_semaphore, #tpu.memory_space<semaphore_mem>>)
        %dma_wait3A = arith.constant 0 : i32
        %dma_wait3A_17 = tpu.memref_slice %arg2[%add3A, %scan3A_11, %dma_wait3A] : memref<32x82x128xi32, #tpu.memory_space<hbm>> -> memref<1x1x128xi32, #tpu.memory_space<hbm>>
        %dma_wait3A_18 = tpu.memref_squeeze %dma_wait3A_17 : memref<1x1x128xi32, #tpu.memory_space<hbm>> -> memref<128xi32, #tpu.memory_space<hbm>>
        %dma_wait3A_19 = arith.constant 0 : i32
        %dma_wait3A_20 = tpu.memref_slice %arg2[%add3A, %scan3A_11, %dma_wait3A_19] : memref<32x82x128xi32, #tpu.memory_space<hbm>> -> memref<1x1x128xi32, #tpu.memory_space<hbm>>
        %dma_wait3A_21 = tpu.memref_squeeze %dma_wait3A_20 : memref<1x1x128xi32, #tpu.memory_space<hbm>> -> memref<128xi32, #tpu.memory_space<hbm>>
        tpu.wait_dma2 semaphore(%run_scoped3A : memref<!tpu.dma_semaphore, #tpu.memory_space<semaphore_mem>>) src(%dma_wait3A_21 : memref<128xi32, #tpu.memory_space<hbm>>) dst(%arg6 : memref<128xi32, #tpu.memory_space<vmem>>)
        tpu.yield
      }) : () -> ()
      "tpu.region"() ({
        %run_scoped3A = tpu.sem_alloc : memref<!tpu.dma_semaphore, #tpu.memory_space<semaphore_mem>>
        %dma_start3A = arith.constant 0 : i32
        %dma_start3A_12 = arith.constant 0 : i32
        %dma_start3A_13 = tpu.memref_slice %arg8[%dma_start3A, %dma_start3A_12] : memref<10112x128xf32, #tpu.memory_space<vmem_shared>> -> memref<10112x128xf32, #tpu.memory_space<vmem_shared>>
        tpu.enqueue_indirect_dma source(%arg7 : memref<128x128xf32, #tpu.memory_space<vmem>>) target(%dma_start3A_13 : memref<10112x128xf32, #tpu.memory_space<vmem_shared>>) offsets(%arg6 : memref<128xi32, #tpu.memory_space<vmem>>) semaphore(%run_scoped3A : memref<!tpu.dma_semaphore, #tpu.memory_space<semaphore_mem>>) {add = true}
        %dma_wait3A = arith.constant 0 : i32
        %dma_wait3A_14 = arith.constant 0 : i32
        %dma_wait3A_15 = tpu.memref_slice %arg8[%dma_wait3A, %dma_wait3A_14] : memref<10112x128xf32, #tpu.memory_space<vmem_shared>> -> memref<10112x128xf32, #tpu.memory_space<vmem_shared>>
        tpu.wait_indirect_dma semaphore(%run_scoped3A : memref<!tpu.dma_semaphore, #tpu.memory_space<semaphore_mem>>) src(%arg7 : memref<128x128xf32, #tpu.memory_space<vmem>>) dst(%dma_wait3A_15 : memref<10112x128xf32, #tpu.memory_space<vmem_shared>>)
        tpu.yield
      }) : () -> ()
    }
    %scan3A_7 = arith.constant 80 : i32
    %barrier3A_8 = arith.constant 0 : index
    tpu.barrier barrier_id(%barrier3A_8)
    %mul3A_9 = arith.constant 632 : i32
    %mul3A_10 = arith.muli %arg1, %mul3A_9 : i32
    "tpu.region"() ({
      %run_scoped3A = tpu.sem_alloc : memref<!tpu.dma_semaphore, #tpu.memory_space<semaphore_mem>>
      %dma_start3A = arith.constant 0 : i32
      %dma_start3A_11 = tpu.memref_slice %arg5[%arg0, %mul3A_10, %dma_start3A] : memref<2x10112x128xf32, #tpu.memory_space<hbm>> -> memref<1x632x128xf32, #tpu.memory_space<hbm>>
      %dma_start3A_12 = tpu.memref_squeeze %dma_start3A_11 : memref<1x632x128xf32, #tpu.memory_space<hbm>> -> memref<632x128xf32, #tpu.memory_space<hbm>>
      %dma_start3A_13 = arith.constant 0 : i32
      %dma_start3A_14 = tpu.memref_slice %arg8[%mul3A_10, %dma_start3A_13] : memref<10112x128xf32, #tpu.memory_space<vmem_shared>> -> memref<632x128xf32, #tpu.memory_space<vmem_shared>>
      tpu.enqueue_dma source(%dma_start3A_14 : memref<632x128xf32, #tpu.memory_space<vmem_shared>>) target(%dma_start3A_12 : memref<632x128xf32, #tpu.memory_space<hbm>>) target_semaphore(%run_scoped3A : memref<!tpu.dma_semaphore, #tpu.memory_space<semaphore_mem>>)
      %dma_wait3A = arith.constant 0 : i32
      %dma_wait3A_15 = tpu.memref_slice %arg5[%arg0, %mul3A_10, %dma_wait3A] : memref<2x10112x128xf32, #tpu.memory_space<hbm>> -> memref<1x632x128xf32, #tpu.memory_space<hbm>>
      %dma_wait3A_16 = tpu.memref_squeeze %dma_wait3A_15 : memref<1x632x128xf32, #tpu.memory_space<hbm>> -> memref<632x128xf32, #tpu.memory_space<hbm>>
      %dma_wait3A_17 = arith.constant 0 : i32
      %dma_wait3A_18 = tpu.memref_slice %arg8[%mul3A_10, %dma_wait3A_17] : memref<10112x128xf32, #tpu.memory_space<vmem_shared>> -> memref<632x128xf32, #tpu.memory_space<vmem_shared>>
      tpu.wait_dma2 semaphore(%run_scoped3A : memref<!tpu.dma_semaphore, #tpu.memory_space<semaphore_mem>>) src(%dma_wait3A_18 : memref<632x128xf32, #tpu.memory_space<vmem_shared>>) dst(%dma_wait3A_16 : memref<632x128xf32, #tpu.memory_space<hbm>>)
      tpu.yield
    }) : () -> ()
    return
  }
}

#map = affine_map<(d0, d1) -> (0, 0)>
#map1 = affine_map<(d0, d1) -> (0, 0, 0)>
module attributes {stable_mosaic.version = 14 : i64} {
  func.func @agg_kernel(%arg0: i32, %arg1: i32, %arg2: memref<10000x128xf32, #tpu.memory_space<hbm>>, %arg3: memref<32x82x128xi32, #tpu.memory_space<hbm>>, %arg4: memref<32x82x128xi32, #tpu.memory_space<hbm>>, %arg5: memref<632x128xf32, #tpu.memory_space<hbm>>, %arg6: memref<2x10112x128xf32, #tpu.memory_space<hbm>>, %arg7: memref<82x128xi32, #tpu.memory_space<vmem>>, %arg8: memref<128xi32, #tpu.memory_space<vmem>>, %arg9: memref<128xi32, #tpu.memory_space<vmem>>, %arg10: memref<128x128xf32, #tpu.memory_space<vmem>>, %arg11: memref<128x128xf32, #tpu.memory_space<vmem>>, %arg12: memref<10112x128xf32, #tpu.memory_space<vmem_shared>>, %arg13: memref<!tpu.dma_semaphore, #tpu.memory_space<semaphore_mem>>, %arg14: memref<!tpu.dma_semaphore, #tpu.memory_space<semaphore_mem>>, %arg15: memref<!tpu.dma_semaphore, #tpu.memory_space<semaphore_mem>>, %arg16: memref<!tpu.dma_semaphore, #tpu.memory_space<semaphore_mem>>) attributes {dimension_semantics = [#tpu.dimension_semantics<core_parallel>, #tpu.dimension_semantics<subcore_parallel>], iteration_bounds = array<i64: 2, 16>, scalar_prefetch = 0 : i64, scratch_operands = 10 : i64, tpu.core_type = #tpu.core_type<sc_vector_subcore>, window_params = [{transform_indices = #map}, {transform_indices = #map1}, {transform_indices = #map1}, {transform_indices = #map}, {transform_indices = #map1}]} {
    %mul3A = arith.constant 2 : i32
    %mul3A_0 = arith.muli %arg1, %mul3A : i32
    %add3A = arith.addi %mul3A_0, %arg0 : i32
    "tpu.region"() ({
      %run_scoped3A = tpu.sem_alloc : memref<!tpu.dma_semaphore, #tpu.memory_space<semaphore_mem>>
      %dma_start3A_65 = arith.constant 0 : i32
      %dma_start3A_66 = arith.constant 0 : i32
      %dma_start3A_67 = tpu.memref_slice %arg3[%add3A, %dma_start3A_65, %dma_start3A_66] : memref<32x82x128xi32, #tpu.memory_space<hbm>> -> memref<1x82x128xi32, #tpu.memory_space<hbm>>
      %dma_start3A_68 = tpu.memref_squeeze %dma_start3A_67 : memref<1x82x128xi32, #tpu.memory_space<hbm>> -> memref<82x128xi32, #tpu.memory_space<hbm>>
      %dma_start3A_69 = arith.constant 0 : i32
      %dma_start3A_70 = arith.constant 0 : i32
      %dma_start3A_71 = tpu.memref_slice %arg3[%add3A, %dma_start3A_69, %dma_start3A_70] : memref<32x82x128xi32, #tpu.memory_space<hbm>> -> memref<1x82x128xi32, #tpu.memory_space<hbm>>
      %dma_start3A_72 = tpu.memref_squeeze %dma_start3A_71 : memref<1x82x128xi32, #tpu.memory_space<hbm>> -> memref<82x128xi32, #tpu.memory_space<hbm>>
      tpu.enqueue_dma source(%dma_start3A_72 : memref<82x128xi32, #tpu.memory_space<hbm>>) target(%arg7 : memref<82x128xi32, #tpu.memory_space<vmem>>) target_semaphore(%run_scoped3A : memref<!tpu.dma_semaphore, #tpu.memory_space<semaphore_mem>>)
      %dma_wait3A_73 = arith.constant 0 : i32
      %dma_wait3A_74 = arith.constant 0 : i32
      %dma_wait3A_75 = tpu.memref_slice %arg3[%add3A, %dma_wait3A_73, %dma_wait3A_74] : memref<32x82x128xi32, #tpu.memory_space<hbm>> -> memref<1x82x128xi32, #tpu.memory_space<hbm>>
      %dma_wait3A_76 = tpu.memref_squeeze %dma_wait3A_75 : memref<1x82x128xi32, #tpu.memory_space<hbm>> -> memref<82x128xi32, #tpu.memory_space<hbm>>
      %dma_wait3A_77 = arith.constant 0 : i32
      %dma_wait3A_78 = arith.constant 0 : i32
      %dma_wait3A_79 = tpu.memref_slice %arg3[%add3A, %dma_wait3A_77, %dma_wait3A_78] : memref<32x82x128xi32, #tpu.memory_space<hbm>> -> memref<1x82x128xi32, #tpu.memory_space<hbm>>
      %dma_wait3A_80 = tpu.memref_squeeze %dma_wait3A_79 : memref<1x82x128xi32, #tpu.memory_space<hbm>> -> memref<82x128xi32, #tpu.memory_space<hbm>>
      tpu.wait_dma2 semaphore(%run_scoped3A : memref<!tpu.dma_semaphore, #tpu.memory_space<semaphore_mem>>) src(%dma_wait3A_80 : memref<82x128xi32, #tpu.memory_space<hbm>>) dst(%arg7 : memref<82x128xi32, #tpu.memory_space<vmem>>)
      tpu.yield
    }) : () -> ()
    %mul3A_1 = arith.constant 632 : i32
    %mul3A_2 = arith.muli %arg1, %mul3A_1 : i32
    "tpu.region"() ({
      %run_scoped3A = tpu.sem_alloc : memref<!tpu.dma_semaphore, #tpu.memory_space<semaphore_mem>>
      %dma_start3A_65 = arith.constant 0 : i32
      %dma_start3A_66 = tpu.memref_slice %arg12[%mul3A_2, %dma_start3A_65] : memref<10112x128xf32, #tpu.memory_space<vmem_shared>> -> memref<632x128xf32, #tpu.memory_space<vmem_shared>>
      tpu.enqueue_dma source(%arg5 : memref<632x128xf32, #tpu.memory_space<hbm>>) target(%dma_start3A_66 : memref<632x128xf32, #tpu.memory_space<vmem_shared>>) target_semaphore(%run_scoped3A : memref<!tpu.dma_semaphore, #tpu.memory_space<semaphore_mem>>)
      %dma_wait3A_67 = arith.constant 0 : i32
      %dma_wait3A_68 = tpu.memref_slice %arg12[%mul3A_2, %dma_wait3A_67] : memref<10112x128xf32, #tpu.memory_space<vmem_shared>> -> memref<632x128xf32, #tpu.memory_space<vmem_shared>>
      tpu.wait_dma2 semaphore(%run_scoped3A : memref<!tpu.dma_semaphore, #tpu.memory_space<semaphore_mem>>) src(%arg5 : memref<632x128xf32, #tpu.memory_space<hbm>>) dst(%dma_wait3A_68 : memref<632x128xf32, #tpu.memory_space<vmem_shared>>)
      tpu.yield
    }) : () -> ()
    %barrier3A = arith.constant 0 : index
    tpu.barrier barrier_id(%barrier3A)
    %dma_start3A = arith.constant 0 : i32
    %dma_start3A_3 = arith.constant 0 : i32
    %dma_start3A_4 = tpu.memref_slice %arg7[%dma_start3A, %dma_start3A_3] : memref<82x128xi32, #tpu.memory_space<vmem>> -> memref<1x128xi32, #tpu.memory_space<vmem>>
    %dma_start3A_5 = tpu.memref_squeeze %dma_start3A_4 : memref<1x128xi32, #tpu.memory_space<vmem>> -> memref<128xi32, #tpu.memory_space<vmem>>
    %dma_start3A_6 = arith.constant 0 : i32
    %dma_start3A_7 = arith.constant 0 : i32
    %dma_start3A_8 = tpu.memref_slice %arg2[%dma_start3A_6, %dma_start3A_7] : memref<10000x128xf32, #tpu.memory_space<hbm>> -> memref<10000x128xf32, #tpu.memory_space<hbm>>
    tpu.enqueue_indirect_dma source(%dma_start3A_8 : memref<10000x128xf32, #tpu.memory_space<hbm>>) target(%arg10 : memref<128x128xf32, #tpu.memory_space<vmem>>) offsets(%dma_start3A_5 : memref<128xi32, #tpu.memory_space<vmem>>) semaphore(%arg13 : memref<!tpu.dma_semaphore, #tpu.memory_space<semaphore_mem>>)
    %dma_start3A_9 = arith.constant 1 : i32
    %dma_start3A_10 = arith.constant 0 : i32
    %dma_start3A_11 = tpu.memref_slice %arg7[%dma_start3A_9, %dma_start3A_10] : memref<82x128xi32, #tpu.memory_space<vmem>> -> memref<1x128xi32, #tpu.memory_space<vmem>>
    %dma_start3A_12 = tpu.memref_squeeze %dma_start3A_11 : memref<1x128xi32, #tpu.memory_space<vmem>> -> memref<128xi32, #tpu.memory_space<vmem>>
    %dma_start3A_13 = arith.constant 0 : i32
    %dma_start3A_14 = arith.constant 0 : i32
    %dma_start3A_15 = tpu.memref_slice %arg2[%dma_start3A_13, %dma_start3A_14] : memref<10000x128xf32, #tpu.memory_space<hbm>> -> memref<10000x128xf32, #tpu.memory_space<hbm>>
    tpu.enqueue_indirect_dma source(%dma_start3A_15 : memref<10000x128xf32, #tpu.memory_space<hbm>>) target(%arg11 : memref<128x128xf32, #tpu.memory_space<vmem>>) offsets(%dma_start3A_12 : memref<128xi32, #tpu.memory_space<vmem>>) semaphore(%arg14 : memref<!tpu.dma_semaphore, #tpu.memory_space<semaphore_mem>>)
    %dma_start3A_16 = arith.constant 0 : i32
    %dma_start3A_17 = arith.constant 0 : i32
    %dma_start3A_18 = tpu.memref_slice %arg4[%add3A, %dma_start3A_16, %dma_start3A_17] : memref<32x82x128xi32, #tpu.memory_space<hbm>> -> memref<1x1x128xi32, #tpu.memory_space<hbm>>
    %dma_start3A_19 = tpu.memref_squeeze %dma_start3A_18 : memref<1x1x128xi32, #tpu.memory_space<hbm>> -> memref<128xi32, #tpu.memory_space<hbm>>
    %dma_start3A_20 = arith.constant 0 : i32
    %dma_start3A_21 = tpu.memref_slice %arg4[%add3A, %dma_start3A_16, %dma_start3A_20] : memref<32x82x128xi32, #tpu.memory_space<hbm>> -> memref<1x1x128xi32, #tpu.memory_space<hbm>>
    %dma_start3A_22 = tpu.memref_squeeze %dma_start3A_21 : memref<1x1x128xi32, #tpu.memory_space<hbm>> -> memref<128xi32, #tpu.memory_space<hbm>>
    tpu.enqueue_dma source(%dma_start3A_22 : memref<128xi32, #tpu.memory_space<hbm>>) target(%arg8 : memref<128xi32, #tpu.memory_space<vmem>>) target_semaphore(%arg15 : memref<!tpu.dma_semaphore, #tpu.memory_space<semaphore_mem>>)
    %dma_start3A_23 = arith.constant 1 : i32
    %dma_start3A_24 = arith.constant 0 : i32
    %dma_start3A_25 = tpu.memref_slice %arg4[%add3A, %dma_start3A_23, %dma_start3A_24] : memref<32x82x128xi32, #tpu.memory_space<hbm>> -> memref<1x1x128xi32, #tpu.memory_space<hbm>>
    %dma_start3A_26 = tpu.memref_squeeze %dma_start3A_25 : memref<1x1x128xi32, #tpu.memory_space<hbm>> -> memref<128xi32, #tpu.memory_space<hbm>>
    %dma_start3A_27 = arith.constant 0 : i32
    %dma_start3A_28 = tpu.memref_slice %arg4[%add3A, %dma_start3A_23, %dma_start3A_27] : memref<32x82x128xi32, #tpu.memory_space<hbm>> -> memref<1x1x128xi32, #tpu.memory_space<hbm>>
    %dma_start3A_29 = tpu.memref_squeeze %dma_start3A_28 : memref<1x1x128xi32, #tpu.memory_space<hbm>> -> memref<128xi32, #tpu.memory_space<hbm>>
    tpu.enqueue_dma source(%dma_start3A_29 : memref<128xi32, #tpu.memory_space<hbm>>) target(%arg9 : memref<128xi32, #tpu.memory_space<vmem>>) target_semaphore(%arg16 : memref<!tpu.dma_semaphore, #tpu.memory_space<semaphore_mem>>)
    %scan3A = arith.constant 0 : i32
    %scan3A_30 = arith.constant 0 : i32
    %scan3A_31 = arith.constant 40 : i32
    %scan3A_32 = arith.addi %scan3A_30, %scan3A_31 : i32
    %scan3A_33 = arith.constant 1 : i32
    scf.for %scan3A_65 = %scan3A_30 to %scan3A_32 step %scan3A_33  : i32 {
      %mul3A_66 = arith.constant 2 : i32
      %mul3A_67 = arith.muli %mul3A_66, %scan3A_65 : i32
      %dma_wait3A_68 = arith.constant 0 : i32
      %dma_wait3A_69 = tpu.memref_slice %arg7[%mul3A_67, %dma_wait3A_68] : memref<82x128xi32, #tpu.memory_space<vmem>> -> memref<1x128xi32, #tpu.memory_space<vmem>>
      %dma_wait3A_70 = tpu.memref_squeeze %dma_wait3A_69 : memref<1x128xi32, #tpu.memory_space<vmem>> -> memref<128xi32, #tpu.memory_space<vmem>>
      %dma_wait3A_71 = arith.constant 0 : i32
      %dma_wait3A_72 = arith.constant 0 : i32
      %dma_wait3A_73 = tpu.memref_slice %arg2[%dma_wait3A_71, %dma_wait3A_72] : memref<10000x128xf32, #tpu.memory_space<hbm>> -> memref<10000x128xf32, #tpu.memory_space<hbm>>
      tpu.wait_indirect_dma semaphore(%arg13 : memref<!tpu.dma_semaphore, #tpu.memory_space<semaphore_mem>>) src(%dma_wait3A_73 : memref<10000x128xf32, #tpu.memory_space<hbm>>) dst(%arg10 : memref<128x128xf32, #tpu.memory_space<vmem>>)
      %dma_wait3A_74 = arith.constant 0 : i32
      %dma_wait3A_75 = tpu.memref_slice %arg4[%add3A, %mul3A_67, %dma_wait3A_74] : memref<32x82x128xi32, #tpu.memory_space<hbm>> -> memref<1x1x128xi32, #tpu.memory_space<hbm>>
      %dma_wait3A_76 = tpu.memref_squeeze %dma_wait3A_75 : memref<1x1x128xi32, #tpu.memory_space<hbm>> -> memref<128xi32, #tpu.memory_space<hbm>>
      %dma_wait3A_77 = arith.constant 0 : i32
      %dma_wait3A_78 = tpu.memref_slice %arg4[%add3A, %mul3A_67, %dma_wait3A_77] : memref<32x82x128xi32, #tpu.memory_space<hbm>> -> memref<1x1x128xi32, #tpu.memory_space<hbm>>
      %dma_wait3A_79 = tpu.memref_squeeze %dma_wait3A_78 : memref<1x1x128xi32, #tpu.memory_space<hbm>> -> memref<128xi32, #tpu.memory_space<hbm>>
      tpu.wait_dma2 semaphore(%arg15 : memref<!tpu.dma_semaphore, #tpu.memory_space<semaphore_mem>>) src(%dma_wait3A_79 : memref<128xi32, #tpu.memory_space<hbm>>) dst(%arg8 : memref<128xi32, #tpu.memory_space<vmem>>)
      "tpu.region"() ({
        %run_scoped3A = tpu.sem_alloc : memref<!tpu.dma_semaphore, #tpu.memory_space<semaphore_mem>>
        %dma_start3A_128 = arith.constant 0 : i32
        %dma_start3A_129 = arith.constant 0 : i32
        %dma_start3A_130 = tpu.memref_slice %arg12[%dma_start3A_128, %dma_start3A_129] : memref<10112x128xf32, #tpu.memory_space<vmem_shared>> -> memref<10112x128xf32, #tpu.memory_space<vmem_shared>>
        tpu.enqueue_indirect_dma source(%arg10 : memref<128x128xf32, #tpu.memory_space<vmem>>) target(%dma_start3A_130 : memref<10112x128xf32, #tpu.memory_space<vmem_shared>>) offsets(%arg8 : memref<128xi32, #tpu.memory_space<vmem>>) semaphore(%run_scoped3A : memref<!tpu.dma_semaphore, #tpu.memory_space<semaphore_mem>>) {add = true}
        %dma_wait3A_131 = arith.constant 0 : i32
        %dma_wait3A_132 = arith.constant 0 : i32
        %dma_wait3A_133 = tpu.memref_slice %arg12[%dma_wait3A_131, %dma_wait3A_132] : memref<10112x128xf32, #tpu.memory_space<vmem_shared>> -> memref<10112x128xf32, #tpu.memory_space<vmem_shared>>
        tpu.wait_indirect_dma semaphore(%run_scoped3A : memref<!tpu.dma_semaphore, #tpu.memory_space<semaphore_mem>>) src(%arg10 : memref<128x128xf32, #tpu.memory_space<vmem>>) dst(%dma_wait3A_133 : memref<10112x128xf32, #tpu.memory_space<vmem_shared>>)
        tpu.yield
      }) : () -> ()
      %add3A_80 = arith.constant 2 : i32
      %add3A_81 = arith.addi %mul3A_67, %add3A_80 : i32
      %dma_start3A_82 = arith.constant 0 : i32
      %dma_start3A_83 = tpu.memref_slice %arg7[%add3A_81, %dma_start3A_82] : memref<82x128xi32, #tpu.memory_space<vmem>> -> memref<1x128xi32, #tpu.memory_space<vmem>>
      %dma_start3A_84 = tpu.memref_squeeze %dma_start3A_83 : memref<1x128xi32, #tpu.memory_space<vmem>> -> memref<128xi32, #tpu.memory_space<vmem>>
      %dma_start3A_85 = arith.constant 0 : i32
      %dma_start3A_86 = arith.constant 0 : i32
      %dma_start3A_87 = tpu.memref_slice %arg2[%dma_start3A_85, %dma_start3A_86] : memref<10000x128xf32, #tpu.memory_space<hbm>> -> memref<10000x128xf32, #tpu.memory_space<hbm>>
      tpu.enqueue_indirect_dma source(%dma_start3A_87 : memref<10000x128xf32, #tpu.memory_space<hbm>>) target(%arg10 : memref<128x128xf32, #tpu.memory_space<vmem>>) offsets(%dma_start3A_84 : memref<128xi32, #tpu.memory_space<vmem>>) semaphore(%arg13 : memref<!tpu.dma_semaphore, #tpu.memory_space<semaphore_mem>>)
      %add3A_88 = arith.constant 2 : i32
      %add3A_89 = arith.addi %mul3A_67, %add3A_88 : i32
      %dma_start3A_90 = arith.constant 0 : i32
      %dma_start3A_91 = tpu.memref_slice %arg4[%add3A, %add3A_89, %dma_start3A_90] : memref<32x82x128xi32, #tpu.memory_space<hbm>> -> memref<1x1x128xi32, #tpu.memory_space<hbm>>
      %dma_start3A_92 = tpu.memref_squeeze %dma_start3A_91 : memref<1x1x128xi32, #tpu.memory_space<hbm>> -> memref<128xi32, #tpu.memory_space<hbm>>
      %dma_start3A_93 = arith.constant 0 : i32
      %dma_start3A_94 = tpu.memref_slice %arg4[%add3A, %add3A_89, %dma_start3A_93] : memref<32x82x128xi32, #tpu.memory_space<hbm>> -> memref<1x1x128xi32, #tpu.memory_space<hbm>>
      %dma_start3A_95 = tpu.memref_squeeze %dma_start3A_94 : memref<1x1x128xi32, #tpu.memory_space<hbm>> -> memref<128xi32, #tpu.memory_space<hbm>>
      tpu.enqueue_dma source(%dma_start3A_95 : memref<128xi32, #tpu.memory_space<hbm>>) target(%arg8 : memref<128xi32, #tpu.memory_space<vmem>>) target_semaphore(%arg15 : memref<!tpu.dma_semaphore, #tpu.memory_space<semaphore_mem>>)
      %add3A_96 = arith.constant 1 : i32
      %add3A_97 = arith.addi %mul3A_67, %add3A_96 : i32
      %dma_wait3A_98 = arith.constant 0 : i32
      %dma_wait3A_99 = tpu.memref_slice %arg7[%add3A_97, %dma_wait3A_98] : memref<82x128xi32, #tpu.memory_space<vmem>> -> memref<1x128xi32, #tpu.memory_space<vmem>>
      %dma_wait3A_100 = tpu.memref_squeeze %dma_wait3A_99 : memref<1x128xi32, #tpu.memory_space<vmem>> -> memref<128xi32, #tpu.memory_space<vmem>>
      %dma_wait3A_101 = arith.constant 0 : i32
      %dma_wait3A_102 = arith.constant 0 : i32
      %dma_wait3A_103 = tpu.memref_slice %arg2[%dma_wait3A_101, %dma_wait3A_102] : memref<10000x128xf32, #tpu.memory_space<hbm>> -> memref<10000x128xf32, #tpu.memory_space<hbm>>
      tpu.wait_indirect_dma semaphore(%arg14 : memref<!tpu.dma_semaphore, #tpu.memory_space<semaphore_mem>>) src(%dma_wait3A_103 : memref<10000x128xf32, #tpu.memory_space<hbm>>) dst(%arg11 : memref<128x128xf32, #tpu.memory_space<vmem>>)
      %add3A_104 = arith.constant 1 : i32
      %add3A_105 = arith.addi %mul3A_67, %add3A_104 : i32
      %dma_wait3A_106 = arith.constant 0 : i32
      %dma_wait3A_107 = tpu.memref_slice %arg4[%add3A, %add3A_105, %dma_wait3A_106] : memref<32x82x128xi32, #tpu.memory_space<hbm>> -> memref<1x1x128xi32, #tpu.memory_space<hbm>>
      %dma_wait3A_108 = tpu.memref_squeeze %dma_wait3A_107 : memref<1x1x128xi32, #tpu.memory_space<hbm>> -> memref<128xi32, #tpu.memory_space<hbm>>
      %dma_wait3A_109 = arith.constant 0 : i32
      %dma_wait3A_110 = tpu.memref_slice %arg4[%add3A, %add3A_105, %dma_wait3A_109] : memref<32x82x128xi32, #tpu.memory_space<hbm>> -> memref<1x1x128xi32, #tpu.memory_space<hbm>>
      %dma_wait3A_111 = tpu.memref_squeeze %dma_wait3A_110 : memref<1x1x128xi32, #tpu.memory_space<hbm>> -> memref<128xi32, #tpu.memory_space<hbm>>
      tpu.wait_dma2 semaphore(%arg16 : memref<!tpu.dma_semaphore, #tpu.memory_space<semaphore_mem>>) src(%dma_wait3A_111 : memref<128xi32, #tpu.memory_space<hbm>>) dst(%arg9 : memref<128xi32, #tpu.memory_space<vmem>>)
      "tpu.region"() ({
        %run_scoped3A = tpu.sem_alloc : memref<!tpu.dma_semaphore, #tpu.memory_space<semaphore_mem>>
        %dma_start3A_128 = arith.constant 0 : i32
        %dma_start3A_129 = arith.constant 0 : i32
        %dma_start3A_130 = tpu.memref_slice %arg12[%dma_start3A_128, %dma_start3A_129] : memref<10112x128xf32, #tpu.memory_space<vmem_shared>> -> memref<10112x128xf32, #tpu.memory_space<vmem_shared>>
        tpu.enqueue_indirect_dma source(%arg11 : memref<128x128xf32, #tpu.memory_space<vmem>>) target(%dma_start3A_130 : memref<10112x128xf32, #tpu.memory_space<vmem_shared>>) offsets(%arg9 : memref<128xi32, #tpu.memory_space<vmem>>) semaphore(%run_scoped3A : memref<!tpu.dma_semaphore, #tpu.memory_space<semaphore_mem>>) {add = true}
        %dma_wait3A_131 = arith.constant 0 : i32
        %dma_wait3A_132 = arith.constant 0 : i32
        %dma_wait3A_133 = tpu.memref_slice %arg12[%dma_wait3A_131, %dma_wait3A_132] : memref<10112x128xf32, #tpu.memory_space<vmem_shared>> -> memref<10112x128xf32, #tpu.memory_space<vmem_shared>>
        tpu.wait_indirect_dma semaphore(%run_scoped3A : memref<!tpu.dma_semaphore, #tpu.memory_space<semaphore_mem>>) src(%arg11 : memref<128x128xf32, #tpu.memory_space<vmem>>) dst(%dma_wait3A_133 : memref<10112x128xf32, #tpu.memory_space<vmem_shared>>)
        tpu.yield
      }) : () -> ()
      %add3A_112 = arith.constant 3 : i32
      %add3A_113 = arith.addi %mul3A_67, %add3A_112 : i32
      %dma_start3A_114 = arith.constant 0 : i32
      %dma_start3A_115 = tpu.memref_slice %arg7[%add3A_113, %dma_start3A_114] : memref<82x128xi32, #tpu.memory_space<vmem>> -> memref<1x128xi32, #tpu.memory_space<vmem>>
      %dma_start3A_116 = tpu.memref_squeeze %dma_start3A_115 : memref<1x128xi32, #tpu.memory_space<vmem>> -> memref<128xi32, #tpu.memory_space<vmem>>
      %dma_start3A_117 = arith.constant 0 : i32
      %dma_start3A_118 = arith.constant 0 : i32
      %dma_start3A_119 = tpu.memref_slice %arg2[%dma_start3A_117, %dma_start3A_118] : memref<10000x128xf32, #tpu.memory_space<hbm>> -> memref<10000x128xf32, #tpu.memory_space<hbm>>
      tpu.enqueue_indirect_dma source(%dma_start3A_119 : memref<10000x128xf32, #tpu.memory_space<hbm>>) target(%arg11 : memref<128x128xf32, #tpu.memory_space<vmem>>) offsets(%dma_start3A_116 : memref<128xi32, #tpu.memory_space<vmem>>) semaphore(%arg14 : memref<!tpu.dma_semaphore, #tpu.memory_space<semaphore_mem>>)
      %add3A_120 = arith.constant 3 : i32
      %add3A_121 = arith.addi %mul3A_67, %add3A_120 : i32
      %dma_start3A_122 = arith.constant 0 : i32
      %dma_start3A_123 = tpu.memref_slice %arg4[%add3A, %add3A_121, %dma_start3A_122] : memref<32x82x128xi32, #tpu.memory_space<hbm>> -> memref<1x1x128xi32, #tpu.memory_space<hbm>>
      %dma_start3A_124 = tpu.memref_squeeze %dma_start3A_123 : memref<1x1x128xi32, #tpu.memory_space<hbm>> -> memref<128xi32, #tpu.memory_space<hbm>>
      %dma_start3A_125 = arith.constant 0 : i32
      %dma_start3A_126 = tpu.memref_slice %arg4[%add3A, %add3A_121, %dma_start3A_125] : memref<32x82x128xi32, #tpu.memory_space<hbm>> -> memref<1x1x128xi32, #tpu.memory_space<hbm>>
      %dma_start3A_127 = tpu.memref_squeeze %dma_start3A_126 : memref<1x1x128xi32, #tpu.memory_space<hbm>> -> memref<128xi32, #tpu.memory_space<hbm>>
      tpu.enqueue_dma source(%dma_start3A_127 : memref<128xi32, #tpu.memory_space<hbm>>) target(%arg9 : memref<128xi32, #tpu.memory_space<vmem>>) target_semaphore(%arg16 : memref<!tpu.dma_semaphore, #tpu.memory_space<semaphore_mem>>)
    }
    %scan3A_34 = arith.constant 40 : i32
    %dma_wait3A = arith.constant 80 : i32
    %dma_wait3A_35 = arith.constant 0 : i32
    %dma_wait3A_36 = tpu.memref_slice %arg7[%dma_wait3A, %dma_wait3A_35] : memref<82x128xi32, #tpu.memory_space<vmem>> -> memref<1x128xi32, #tpu.memory_space<vmem>>
    %dma_wait3A_37 = tpu.memref_squeeze %dma_wait3A_36 : memref<1x128xi32, #tpu.memory_space<vmem>> -> memref<128xi32, #tpu.memory_space<vmem>>
    %dma_wait3A_38 = arith.constant 0 : i32
    %dma_wait3A_39 = arith.constant 0 : i32
    %dma_wait3A_40 = tpu.memref_slice %arg2[%dma_wait3A_38, %dma_wait3A_39] : memref<10000x128xf32, #tpu.memory_space<hbm>> -> memref<10000x128xf32, #tpu.memory_space<hbm>>
    tpu.wait_indirect_dma semaphore(%arg13 : memref<!tpu.dma_semaphore, #tpu.memory_space<semaphore_mem>>) src(%dma_wait3A_40 : memref<10000x128xf32, #tpu.memory_space<hbm>>) dst(%arg10 : memref<128x128xf32, #tpu.memory_space<vmem>>)
    %dma_wait3A_41 = arith.constant 81 : i32
    %dma_wait3A_42 = arith.constant 0 : i32
    %dma_wait3A_43 = tpu.memref_slice %arg7[%dma_wait3A_41, %dma_wait3A_42] : memref<82x128xi32, #tpu.memory_space<vmem>> -> memref<1x128xi32, #tpu.memory_space<vmem>>
    %dma_wait3A_44 = tpu.memref_squeeze %dma_wait3A_43 : memref<1x128xi32, #tpu.memory_space<vmem>> -> memref<128xi32, #tpu.memory_space<vmem>>
    %dma_wait3A_45 = arith.constant 0 : i32
    %dma_wait3A_46 = arith.constant 0 : i32
    %dma_wait3A_47 = tpu.memref_slice %arg2[%dma_wait3A_45, %dma_wait3A_46] : memref<10000x128xf32, #tpu.memory_space<hbm>> -> memref<10000x128xf32, #tpu.memory_space<hbm>>
    tpu.wait_indirect_dma semaphore(%arg14 : memref<!tpu.dma_semaphore, #tpu.memory_space<semaphore_mem>>) src(%dma_wait3A_47 : memref<10000x128xf32, #tpu.memory_space<hbm>>) dst(%arg11 : memref<128x128xf32, #tpu.memory_space<vmem>>)
    %dma_wait3A_48 = arith.constant 80 : i32
    %dma_wait3A_49 = arith.constant 0 : i32
    %dma_wait3A_50 = tpu.memref_slice %arg4[%add3A, %dma_wait3A_48, %dma_wait3A_49] : memref<32x82x128xi32, #tpu.memory_space<hbm>> -> memref<1x1x128xi32, #tpu.memory_space<hbm>>
    %dma_wait3A_51 = tpu.memref_squeeze %dma_wait3A_50 : memref<1x1x128xi32, #tpu.memory_space<hbm>> -> memref<128xi32, #tpu.memory_space<hbm>>
    %dma_wait3A_52 = arith.constant 0 : i32
    %dma_wait3A_53 = tpu.memref_slice %arg4[%add3A, %dma_wait3A_48, %dma_wait3A_52] : memref<32x82x128xi32, #tpu.memory_space<hbm>> -> memref<1x1x128xi32, #tpu.memory_space<hbm>>
    %dma_wait3A_54 = tpu.memref_squeeze %dma_wait3A_53 : memref<1x1x128xi32, #tpu.memory_space<hbm>> -> memref<128xi32, #tpu.memory_space<hbm>>
    tpu.wait_dma2 semaphore(%arg15 : memref<!tpu.dma_semaphore, #tpu.memory_space<semaphore_mem>>) src(%dma_wait3A_54 : memref<128xi32, #tpu.memory_space<hbm>>) dst(%arg8 : memref<128xi32, #tpu.memory_space<vmem>>)
    %dma_wait3A_55 = arith.constant 81 : i32
    %dma_wait3A_56 = arith.constant 0 : i32
    %dma_wait3A_57 = tpu.memref_slice %arg4[%add3A, %dma_wait3A_55, %dma_wait3A_56] : memref<32x82x128xi32, #tpu.memory_space<hbm>> -> memref<1x1x128xi32, #tpu.memory_space<hbm>>
    %dma_wait3A_58 = tpu.memref_squeeze %dma_wait3A_57 : memref<1x1x128xi32, #tpu.memory_space<hbm>> -> memref<128xi32, #tpu.memory_space<hbm>>
    %dma_wait3A_59 = arith.constant 0 : i32
    %dma_wait3A_60 = tpu.memref_slice %arg4[%add3A, %dma_wait3A_55, %dma_wait3A_59] : memref<32x82x128xi32, #tpu.memory_space<hbm>> -> memref<1x1x128xi32, #tpu.memory_space<hbm>>
    %dma_wait3A_61 = tpu.memref_squeeze %dma_wait3A_60 : memref<1x1x128xi32, #tpu.memory_space<hbm>> -> memref<128xi32, #tpu.memory_space<hbm>>
    tpu.wait_dma2 semaphore(%arg16 : memref<!tpu.dma_semaphore, #tpu.memory_space<semaphore_mem>>) src(%dma_wait3A_61 : memref<128xi32, #tpu.memory_space<hbm>>) dst(%arg9 : memref<128xi32, #tpu.memory_space<vmem>>)
    %barrier3A_62 = arith.constant 0 : index
    tpu.barrier barrier_id(%barrier3A_62)
    %mul3A_63 = arith.constant 632 : i32
    %mul3A_64 = arith.muli %arg1, %mul3A_63 : i32
    "tpu.region"() ({
      %run_scoped3A = tpu.sem_alloc : memref<!tpu.dma_semaphore, #tpu.memory_space<semaphore_mem>>
      %dma_start3A_65 = arith.constant 0 : i32
      %dma_start3A_66 = tpu.memref_slice %arg6[%arg0, %mul3A_64, %dma_start3A_65] : memref<2x10112x128xf32, #tpu.memory_space<hbm>> -> memref<1x632x128xf32, #tpu.memory_space<hbm>>
      %dma_start3A_67 = tpu.memref_squeeze %dma_start3A_66 : memref<1x632x128xf32, #tpu.memory_space<hbm>> -> memref<632x128xf32, #tpu.memory_space<hbm>>
      %dma_start3A_68 = arith.constant 0 : i32
      %dma_start3A_69 = tpu.memref_slice %arg12[%mul3A_64, %dma_start3A_68] : memref<10112x128xf32, #tpu.memory_space<vmem_shared>> -> memref<632x128xf32, #tpu.memory_space<vmem_shared>>
      tpu.enqueue_dma source(%dma_start3A_69 : memref<632x128xf32, #tpu.memory_space<vmem_shared>>) target(%dma_start3A_67 : memref<632x128xf32, #tpu.memory_space<hbm>>) target_semaphore(%run_scoped3A : memref<!tpu.dma_semaphore, #tpu.memory_space<semaphore_mem>>)
      %dma_wait3A_70 = arith.constant 0 : i32
      %dma_wait3A_71 = tpu.memref_slice %arg6[%arg0, %mul3A_64, %dma_wait3A_70] : memref<2x10112x128xf32, #tpu.memory_space<hbm>> -> memref<1x632x128xf32, #tpu.memory_space<hbm>>
      %dma_wait3A_72 = tpu.memref_squeeze %dma_wait3A_71 : memref<1x632x128xf32, #tpu.memory_space<hbm>> -> memref<632x128xf32, #tpu.memory_space<hbm>>
      %dma_wait3A_73 = arith.constant 0 : i32
      %dma_wait3A_74 = tpu.memref_slice %arg12[%mul3A_64, %dma_wait3A_73] : memref<10112x128xf32, #tpu.memory_space<vmem_shared>> -> memref<632x128xf32, #tpu.memory_space<vmem_shared>>
      tpu.wait_dma2 semaphore(%run_scoped3A : memref<!tpu.dma_semaphore, #tpu.memory_space<semaphore_mem>>) src(%dma_wait3A_74 : memref<632x128xf32, #tpu.memory_space<vmem_shared>>) dst(%dma_wait3A_72 : memref<632x128xf32, #tpu.memory_space<hbm>>)
      tpu.yield
    }) : () -> ()
    return
  }
}

module attributes {stable_mosaic.version = 14 : i64} {
  func.func @body(%arg0: memref<10000x128xf32, #tpu.memory_space<vmem>>, %arg1: memref<128x64xf32, #tpu.memory_space<vmem>>, %arg2: memref<2x10112x128xf32, #tpu.memory_space<vmem>>, %arg3: memref<10000x128xf32, #tpu.memory_space<vmem>>, %arg4: memref<10000x1xf32, #tpu.memory_space<vmem>>) attributes {dimension_semantics = [], scalar_prefetch = 0 : i64, scratch_operands = 0 : i64, tpu.core_type = #tpu.core_type<tc>} {
    %get3A = arith.constant 0 : index
    %get3A_0 = arith.constant 0 : index
    %get3A_1 = arith.constant 0 : index
    %get3A_2 = vector.load %arg2[%get3A, %get3A_0, %get3A_1] : memref<2x10112x128xf32, #tpu.memory_space<vmem>>, vector<1x10000x1xf32>
    %get3A_3 = vector.shape_cast %get3A_2 : vector<1x10000x1xf32> to vector<10000x1xf32>
    %get3A_4 = arith.constant 1 : index
    %get3A_5 = arith.constant 0 : index
    %get3A_6 = arith.constant 0 : index
    %get3A_7 = vector.load %arg2[%get3A_4, %get3A_5, %get3A_6] : memref<2x10112x128xf32, #tpu.memory_space<vmem>>, vector<1x10000x1xf32>
    %get3A_8 = vector.shape_cast %get3A_7 : vector<1x10000x1xf32> to vector<10000x1xf32>
    %add3A = arith.addf %get3A_3, %get3A_8 : vector<10000x1xf32>
    %add3A_9 = arith.constant 1.000000e+00 : f32
    %add3A_10 = vector.broadcast %add3A_9 : f32 to vector<10000x1xf32>
    %add3A_11 = arith.addf %add3A, %add3A_10 : vector<10000x1xf32>
    %rsqrt3A = math.rsqrt %add3A_11 : vector<10000x1xf32>
    %swap3A = arith.constant 0 : index
    %swap3A_12 = arith.constant 0 : index
    %swap3A_13 = vector.load %arg4[%swap3A, %swap3A_12] : memref<10000x1xf32, #tpu.memory_space<vmem>>, vector<10000x1xf32>
    tpu.vector_store %arg4[%swap3A, %swap3A_12], %rsqrt3A {strides = array<i32>} : memref<10000x1xf32, #tpu.memory_space<vmem>>, vector<10000x1xf32>,
    %get3A_14 = arith.constant 0 : index
    %get3A_15 = arith.constant 0 : index
    %get3A_16 = vector.load %arg0[%get3A_14, %get3A_15] : memref<10000x128xf32, #tpu.memory_space<vmem>>, vector<10000x128xf32>
    %get3A_17 = arith.constant 0 : index
    %get3A_18 = arith.constant 0 : index
    %get3A_19 = vector.load %arg1[%get3A_17, %get3A_18] : memref<128x64xf32, #tpu.memory_space<vmem>>, vector<128x64xf32>
    %dot_general3A = arith.constant dense<0.000000e+00> : vector<10000x64xf32>
    %dot_general3A_20 = tpu.matmul %get3A_16, %get3A_19, %dot_general3A {dimension_numbers = #tpu.dot_dimension_numbers<[1], [0], [0], [1], [0, 0, 1, 1], [], []>, transpose_lhs_hint = false} : vector<10000x128xf32>, vector<128x64xf32>, vector<10000x64xf32> -> vector<10000x64xf32>
    %mul3A = vector.broadcast %rsqrt3A : vector<10000x1xf32> to vector<10000x64xf32>
    %mul3A_21 = arith.mulf %dot_general3A_20, %mul3A : vector<10000x64xf32>
    %broadcast_in_dim3A = arith.constant 0.000000e+00 : f32
    %broadcast_in_dim3A_22 = vector.broadcast %broadcast_in_dim3A : f32 to vector<10000x64xf32>
    %concatenate3A = tpu.concatenate %mul3A_21, %broadcast_in_dim3A_22 in 1 : vector<10000x64xf32>, vector<10000x64xf32> -> vector<10000x128xf32>
    %swap3A_23 = arith.constant 0 : index
    %swap3A_24 = arith.constant 0 : index
    %swap3A_25 = vector.load %arg3[%swap3A_23, %swap3A_24] : memref<10000x128xf32, #tpu.memory_space<vmem>>, vector<10000x128xf32>
    tpu.vector_store %arg3[%swap3A_23, %swap3A_24], %concatenate3A {strides = array<i32>} : memref<10000x128xf32, #tpu.memory_space<vmem>>, vector<10000x128xf32>,
    return
  }
}

module attributes {stable_mosaic.version = 14 : i64} {
  func.func @body(%arg0: memref<2x10112x128xf32, #tpu.memory_space<vmem>>, %arg1: memref<10000x128xf32, #tpu.memory_space<vmem>>, %arg2: memref<10000x1xf32, #tpu.memory_space<vmem>>, %arg3: memref<1x64xf32, #tpu.memory_space<vmem>>, %arg4: memref<64x64xf32, #tpu.memory_space<vmem>>, %arg5: memref<10000x128xf32, #tpu.memory_space<vmem>>) attributes {dimension_semantics = [], scalar_prefetch = 0 : i64, scratch_operands = 0 : i64, tpu.core_type = #tpu.core_type<tc>} {
    %get3A = arith.constant 0 : index
    %get3A_0 = arith.constant 0 : index
    %get3A_1 = arith.constant 0 : index
    %get3A_2 = vector.load %arg0[%get3A, %get3A_0, %get3A_1] : memref<2x10112x128xf32, #tpu.memory_space<vmem>>, vector<1x10000x64xf32>
    %get3A_3 = vector.shape_cast %get3A_2 : vector<1x10000x64xf32> to vector<10000x64xf32>
    %get3A_4 = arith.constant 1 : index
    %get3A_5 = arith.constant 0 : index
    %get3A_6 = arith.constant 0 : index
    %get3A_7 = vector.load %arg0[%get3A_4, %get3A_5, %get3A_6] : memref<2x10112x128xf32, #tpu.memory_space<vmem>>, vector<1x10000x64xf32>
    %get3A_8 = vector.shape_cast %get3A_7 : vector<1x10000x64xf32> to vector<10000x64xf32>
    %add3A = arith.addf %get3A_3, %get3A_8 : vector<10000x64xf32>
    %get3A_9 = arith.constant 0 : index
    %get3A_10 = arith.constant 0 : index
    %get3A_11 = vector.load %arg2[%get3A_9, %get3A_10] : memref<10000x1xf32, #tpu.memory_space<vmem>>, vector<10000x1xf32>
    %get3A_12 = arith.constant 0 : index
    %get3A_13 = arith.constant 0 : index
    %get3A_14 = vector.load %arg1[%get3A_12, %get3A_13] : memref<10000x128xf32, #tpu.memory_space<vmem>>, vector<10000x64xf32>
    %add3A_15 = arith.addf %add3A, %get3A_14 : vector<10000x64xf32>
    %mul3A = vector.broadcast %get3A_11 : vector<10000x1xf32> to vector<10000x64xf32>
    %mul3A_16 = arith.mulf %mul3A, %add3A_15 : vector<10000x64xf32>
    %get3A_17 = arith.constant 0 : index
    %get3A_18 = arith.constant 0 : index
    %get3A_19 = vector.load %arg3[%get3A_17, %get3A_18] : memref<1x64xf32, #tpu.memory_space<vmem>>, vector<1x64xf32>
    %add3A_20 = vector.broadcast %get3A_19 : vector<1x64xf32> to vector<10000x64xf32>
    %add3A_21 = arith.addf %mul3A_16, %add3A_20 : vector<10000x64xf32>
    %max3A = arith.constant 0.000000e+00 : f32
    %max3A_22 = vector.broadcast %max3A : f32 to vector<10000x64xf32>
    %max3A_23 = arith.maximumf %add3A_21, %max3A_22 : vector<10000x64xf32>
    %get3A_24 = arith.constant 0 : index
    %get3A_25 = arith.constant 0 : index
    %get3A_26 = vector.load %arg4[%get3A_24, %get3A_25] : memref<64x64xf32, #tpu.memory_space<vmem>>, vector<64x64xf32>
    %dot_general3A = arith.constant dense<0.000000e+00> : vector<10000x64xf32>
    %dot_general3A_27 = tpu.matmul %max3A_23, %get3A_26, %dot_general3A {dimension_numbers = #tpu.dot_dimension_numbers<[1], [0], [0], [1], [0, 0, 1, 1], [], []>, transpose_lhs_hint = false} : vector<10000x64xf32>, vector<64x64xf32>, vector<10000x64xf32> -> vector<10000x64xf32>
    %get3A_28 = arith.constant 0 : index
    %get3A_29 = arith.constant 0 : index
    %get3A_30 = vector.load %arg2[%get3A_28, %get3A_29] : memref<10000x1xf32, #tpu.memory_space<vmem>>, vector<10000x1xf32>
    %mul3A_31 = vector.broadcast %get3A_30 : vector<10000x1xf32> to vector<10000x64xf32>
    %mul3A_32 = arith.mulf %dot_general3A_27, %mul3A_31 : vector<10000x64xf32>
    %broadcast_in_dim3A = arith.constant 0.000000e+00 : f32
    %broadcast_in_dim3A_33 = vector.broadcast %broadcast_in_dim3A : f32 to vector<10000x64xf32>
    %concatenate3A = tpu.concatenate %mul3A_32, %broadcast_in_dim3A_33 in 1 : vector<10000x64xf32>, vector<10000x64xf32> -> vector<10000x128xf32>
    %swap3A = arith.constant 0 : index
    %swap3A_34 = arith.constant 0 : index
    %swap3A_35 = vector.load %arg5[%swap3A, %swap3A_34] : memref<10000x128xf32, #tpu.memory_space<vmem>>, vector<10000x128xf32>
    tpu.vector_store %arg5[%swap3A, %swap3A_34], %concatenate3A {strides = array<i32>} : memref<10000x128xf32, #tpu.memory_space<vmem>>, vector<10000x128xf32>,
    return
  }
}

module attributes {stable_mosaic.version = 14 : i64} {
  func.func @body(%arg0: i32, %arg1: i32, %arg2: memref<18xi32, #tpu.memory_space<smem>>, %arg3: memref<20024x128xf32, #tpu.memory_space<vmem>>, %arg4: memref<3x128x64xf32, #tpu.memory_space<vmem>>, %arg5: memref<3x64x64xf32, #tpu.memory_space<vmem>>, %arg6: memref<2x64xf32, #tpu.memory_space<vmem>>, %arg7: memref<1x1x64xf32, #tpu.memory_space<vmem>>) attributes {dimension_semantics = [#tpu.dimension_semantics<arbitrary>, #tpu.dimension_semantics<arbitrary>], iteration_bounds = array<i64: 16, 5>, scalar_prefetch = 1 : i64, scratch_operands = 0 : i64, tpu.core_type = #tpu.core_type<tc>, window_params = [{pipeline_mode = #tpu.pipeline_mode<synchronous>, transform_indices = @transform_0, window_bounds = array<i64: 20024, 128>}, {pipeline_mode = #tpu.pipeline_mode<synchronous>, transform_indices = @transform_1, window_bounds = array<i64: 3, 128, 64>}, {pipeline_mode = #tpu.pipeline_mode<synchronous>, transform_indices = @transform_2, window_bounds = array<i64: 3, 64, 64>}, {pipeline_mode = #tpu.pipeline_mode<synchronous>, transform_indices = @transform_3, window_bounds = array<i64: 2, 64>}, {transform_indices = @transform_4, window_bounds = array<i64: 1, 1, 64>}]} {
    %get3A = arith.index_cast %arg0 : i32 to index
    %get3A_0 = memref.load %arg2[%get3A] : memref<18xi32, #tpu.memory_space<smem>>
    %add3A = arith.constant 1 : i32
    %add3A_1 = arith.addi %arg0, %add3A : i32
    %get3A_2 = arith.index_cast %add3A_1 : i32 to index
    %get3A_3 = memref.load %arg2[%get3A_2] : memref<18xi32, #tpu.memory_space<smem>>
    %sub3A = arith.subi %get3A_3, %get3A_0 : i32
    %get3A_4 = arith.constant 17 : index
    %get3A_5 = memref.load %arg2[%get3A_4] : memref<18xi32, #tpu.memory_space<smem>>
    %iota3A = tpu.iota {dimensions = array<i32: 0>} : vector<2004x1xi32>
    %mul3A = arith.constant 2000 : i32
    %mul3A_6 = arith.muli %arg1, %mul3A : i32
    %sub3A_7 = arith.constant 2 : i32
    %sub3A_8 = arith.subi %mul3A_6, %sub3A_7 : i32
    %add3A_9 = vector.broadcast %sub3A_8 : i32 to vector<2004x1xi32>
    %add3A_10 = arith.addi %add3A_9, %iota3A : vector<2004x1xi32>
    %broadcast_in_dim3A = arith.constant 0.000000e+00 : f32
    %broadcast_in_dim3A_11 = vector.broadcast %broadcast_in_dim3A : f32 to vector<2004x64xf32>
    %get3A_12 = arith.constant 0 : index
    %get3A_13 = arith.constant 0 : index
    %get3A_14 = vector.load %arg6[%get3A_12, %get3A_13] : memref<2x64xf32, #tpu.memory_space<vmem>>, vector<1x64xf32>
    %add3A_15 = vector.broadcast %get3A_14 : vector<1x64xf32> to vector<2004x64xf32>
    %add3A_16 = arith.addf %broadcast_in_dim3A_11, %add3A_15 : vector<2004x64xf32>
    %mul3A_17 = arith.constant 2000 : i32
    %mul3A_18 = arith.muli %arg1, %mul3A_17 : i32
    %add3A_19 = arith.addi %get3A_0, %mul3A_18 : i32
    %add3A_20 = arith.constant 0 : i32
    %add3A_21 = arith.addi %add3A_19, %add3A_20 : i32
    %get3A_22 = arith.index_cast %add3A_21 : i32 to index
    %get3A_23 = arith.constant 0 : index
    %get3A_24 = vector.load %arg3[%get3A_22, %get3A_23] : memref<20024x128xf32, #tpu.memory_space<vmem>>, vector<2004x128xf32>
    %add3A_25 = arith.constant -1 : i32
    %add3A_26 = vector.broadcast %add3A_25 : i32 to vector<2004x1xi32>
    %add3A_27 = arith.addi %add3A_10, %add3A_26 : vector<2004x1xi32>
    %ge3A = arith.constant 0 : i32
    %ge3A_28 = vector.broadcast %ge3A : i32 to vector<2004x1xi32>
    %ge3A_29 = arith.cmpi sge, %add3A_27, %ge3A_28 : vector<2004x1xi32>
    %lt3A = vector.broadcast %sub3A : i32 to vector<2004x1xi32>
    %lt3A_30 = arith.cmpi slt, %add3A_27, %lt3A : vector<2004x1xi32>
    %and3A = arith.andi %ge3A_29, %lt3A_30 : vector<2004x1xi1>
    %jit3A = arith.constant 0.000000e+00 : f32
    %broadcast_in_dim3A_31 = vector.shape_cast %and3A : vector<2004x1xi1> to vector<2004x1xi1>
    %broadcast_in_dim3A_32 = vector.broadcast %broadcast_in_dim3A_31 : vector<2004x1xi1> to vector<2004x128xi1>
    %broadcast_in_dim3A_33 = vector.broadcast %jit3A : f32 to vector<2004x128xf32>
    %select_n3A = arith.select %broadcast_in_dim3A_32, %get3A_24, %broadcast_in_dim3A_33 : vector<2004x128xi1>, vector<2004x128xf32>
    %get3A_34 = arith.constant 0 : index
    %get3A_35 = arith.constant 0 : index
    %get3A_36 = arith.constant 0 : index
    %get3A_37 = vector.load %arg4[%get3A_34, %get3A_35, %get3A_36] : memref<3x128x64xf32, #tpu.memory_space<vmem>>, vector<1x128x64xf32>
    %get3A_38 = vector.shape_cast %get3A_37 : vector<1x128x64xf32> to vector<128x64xf32>
    %dot_general3A = arith.constant dense<0.000000e+00> : vector<2004x64xf32>
    %dot_general3A_39 = tpu.matmul %select_n3A, %get3A_38, %dot_general3A {dimension_numbers = #tpu.dot_dimension_numbers<[1], [0], [0], [1], [0, 0, 1, 1], [], []>, transpose_lhs_hint = false} : vector<2004x128xf32>, vector<128x64xf32>, vector<2004x64xf32> -> vector<2004x64xf32>
    %add3A_40 = arith.addf %add3A_16, %dot_general3A_39 : vector<2004x64xf32>
    %mul3A_41 = arith.constant 2000 : i32
    %mul3A_42 = arith.muli %arg1, %mul3A_41 : i32
    %add3A_43 = arith.addi %get3A_0, %mul3A_42 : i32
    %add3A_44 = arith.constant 1 : i32
    %add3A_45 = arith.addi %add3A_43, %add3A_44 : i32
    %get3A_46 = arith.index_cast %add3A_45 : i32 to index
    %get3A_47 = arith.constant 0 : index
    %get3A_48 = vector.load %arg3[%get3A_46, %get3A_47] : memref<20024x128xf32, #tpu.memory_space<vmem>>, vector<2004x128xf32>
    %add3A_49 = arith.constant 0 : i32
    %add3A_50 = vector.broadcast %add3A_49 : i32 to vector<2004x1xi32>
    %add3A_51 = arith.addi %add3A_10, %add3A_50 : vector<2004x1xi32>
    %ge3A_52 = arith.constant 0 : i32
    %ge3A_53 = vector.broadcast %ge3A_52 : i32 to vector<2004x1xi32>
    %ge3A_54 = arith.cmpi sge, %add3A_51, %ge3A_53 : vector<2004x1xi32>
    %lt3A_55 = vector.broadcast %sub3A : i32 to vector<2004x1xi32>
    %lt3A_56 = arith.cmpi slt, %add3A_51, %lt3A_55 : vector<2004x1xi32>
    %and3A_57 = arith.andi %ge3A_54, %lt3A_56 : vector<2004x1xi1>
    %jit3A_58 = arith.constant 0.000000e+00 : f32
    %broadcast_in_dim3A_59 = vector.shape_cast %and3A_57 : vector<2004x1xi1> to vector<2004x1xi1>
    %broadcast_in_dim3A_60 = vector.broadcast %broadcast_in_dim3A_59 : vector<2004x1xi1> to vector<2004x128xi1>
    %broadcast_in_dim3A_61 = vector.broadcast %jit3A_58 : f32 to vector<2004x128xf32>
    %select_n3A_62 = arith.select %broadcast_in_dim3A_60, %get3A_48, %broadcast_in_dim3A_61 : vector<2004x128xi1>, vector<2004x128xf32>
    %get3A_63 = arith.constant 1 : index
    %get3A_64 = arith.constant 0 : index
    %get3A_65 = arith.constant 0 : index
    %get3A_66 = vector.load %arg4[%get3A_63, %get3A_64, %get3A_65] : memref<3x128x64xf32, #tpu.memory_space<vmem>>, vector<1x128x64xf32>
    %get3A_67 = vector.shape_cast %get3A_66 : vector<1x128x64xf32> to vector<128x64xf32>
    %dot_general3A_68 = arith.constant dense<0.000000e+00> : vector<2004x64xf32>
    %dot_general3A_69 = tpu.matmul %select_n3A_62, %get3A_67, %dot_general3A_68 {dimension_numbers = #tpu.dot_dimension_numbers<[1], [0], [0], [1], [0, 0, 1, 1], [], []>, transpose_lhs_hint = false} : vector<2004x128xf32>, vector<128x64xf32>, vector<2004x64xf32> -> vector<2004x64xf32>
    %add3A_70 = arith.addf %add3A_40, %dot_general3A_69 : vector<2004x64xf32>
    %mul3A_71 = arith.constant 2000 : i32
    %mul3A_72 = arith.muli %arg1, %mul3A_71 : i32
    %add3A_73 = arith.addi %get3A_0, %mul3A_72 : i32
    %add3A_74 = arith.constant 2 : i32
    %add3A_75 = arith.addi %add3A_73, %add3A_74 : i32
    %get3A_76 = arith.index_cast %add3A_75 : i32 to index
    %get3A_77 = arith.constant 0 : index
    %get3A_78 = vector.load %arg3[%get3A_76, %get3A_77] : memref<20024x128xf32, #tpu.memory_space<vmem>>, vector<2004x128xf32>
    %add3A_79 = arith.constant 1 : i32
    %add3A_80 = vector.broadcast %add3A_79 : i32 to vector<2004x1xi32>
    %add3A_81 = arith.addi %add3A_10, %add3A_80 : vector<2004x1xi32>
    %ge3A_82 = arith.constant 0 : i32
    %ge3A_83 = vector.broadcast %ge3A_82 : i32 to vector<2004x1xi32>
    %ge3A_84 = arith.cmpi sge, %add3A_81, %ge3A_83 : vector<2004x1xi32>
    %lt3A_85 = vector.broadcast %sub3A : i32 to vector<2004x1xi32>
    %lt3A_86 = arith.cmpi slt, %add3A_81, %lt3A_85 : vector<2004x1xi32>
    %and3A_87 = arith.andi %ge3A_84, %lt3A_86 : vector<2004x1xi1>
    %jit3A_88 = arith.constant 0.000000e+00 : f32
    %broadcast_in_dim3A_89 = vector.shape_cast %and3A_87 : vector<2004x1xi1> to vector<2004x1xi1>
    %broadcast_in_dim3A_90 = vector.broadcast %broadcast_in_dim3A_89 : vector<2004x1xi1> to vector<2004x128xi1>
    %broadcast_in_dim3A_91 = vector.broadcast %jit3A_88 : f32 to vector<2004x128xf32>
    %select_n3A_92 = arith.select %broadcast_in_dim3A_90, %get3A_78, %broadcast_in_dim3A_91 : vector<2004x128xi1>, vector<2004x128xf32>
    %get3A_93 = arith.constant 2 : index
    %get3A_94 = arith.constant 0 : index
    %get3A_95 = arith.constant 0 : index
    %get3A_96 = vector.load %arg4[%get3A_93, %get3A_94, %get3A_95] : memref<3x128x64xf32, #tpu.memory_space<vmem>>, vector<1x128x64xf32>
    %get3A_97 = vector.shape_cast %get3A_96 : vector<1x128x64xf32> to vector<128x64xf32>
    %dot_general3A_98 = arith.constant dense<0.000000e+00> : vector<2004x64xf32>
    %dot_general3A_99 = tpu.matmul %select_n3A_92, %get3A_97, %dot_general3A_98 {dimension_numbers = #tpu.dot_dimension_numbers<[1], [0], [0], [1], [0, 0, 1, 1], [], []>, transpose_lhs_hint = false} : vector<2004x128xf32>, vector<128x64xf32>, vector<2004x64xf32> -> vector<2004x64xf32>
    %add3A_100 = arith.addf %add3A_70, %dot_general3A_99 : vector<2004x64xf32>
    %max3A = arith.constant 0.000000e+00 : f32
    %max3A_101 = vector.broadcast %max3A : f32 to vector<2004x64xf32>
    %max3A_102 = arith.maximumf %add3A_100, %max3A_101 : vector<2004x64xf32>
    %reshape3A = vector.shape_cast %max3A_102 : vector<2004x64xf32> to vector<1002x2x64xf32>
    %reduce_max3A = arith.constant dense<0xFF800000> : vector<1002x64xf32>
    %reduce_max3A_103 = vector.multi_reduction <maximumf>, %reshape3A, %reduce_max3A [1] : vector<1002x2x64xf32> to vector<1002x64xf32>
    %mul3A_104 = arith.constant 1000 : i32
    %mul3A_105 = arith.muli %arg1, %mul3A_104 : i32
    %sub3A_106 = arith.constant 1 : i32
    %sub3A_107 = arith.subi %mul3A_105, %sub3A_106 : i32
    %iota3A_108 = tpu.iota {dimensions = array<i32: 0>} : vector<1002x1xi32>
    %add3A_109 = vector.broadcast %sub3A_107 : i32 to vector<1002x1xi32>
    %add3A_110 = arith.addi %add3A_109, %iota3A_108 : vector<1002x1xi32>
    %ge3A_111 = arith.constant 0 : i32
    %ge3A_112 = vector.broadcast %ge3A_111 : i32 to vector<1002x1xi32>
    %ge3A_113 = arith.cmpi sge, %add3A_110, %ge3A_112 : vector<1002x1xi32>
    %lt3A_114 = vector.broadcast %get3A_5 : i32 to vector<1002x1xi32>
    %lt3A_115 = arith.cmpi slt, %add3A_110, %lt3A_114 : vector<1002x1xi32>
    %and3A_116 = arith.andi %ge3A_113, %lt3A_115 : vector<1002x1xi1>
    %jit3A_117 = arith.constant 0.000000e+00 : f32
    %broadcast_in_dim3A_118 = vector.shape_cast %and3A_116 : vector<1002x1xi1> to vector<1002x1xi1>
    %broadcast_in_dim3A_119 = vector.broadcast %broadcast_in_dim3A_118 : vector<1002x1xi1> to vector<1002x64xi1>
    %broadcast_in_dim3A_120 = vector.broadcast %jit3A_117 : f32 to vector<1002x64xf32>
    %select_n3A_121 = arith.select %broadcast_in_dim3A_119, %reduce_max3A_103, %broadcast_in_dim3A_120 : vector<1002x64xi1>, vector<1002x64xf32>
    %slice3A = vector.extract_strided_slice %select_n3A_121 {offsets = [0, 0], sizes = [1000, 64], strides = [1, 1]} : vector<1002x64xf32> to vector<1000x64xf32>
    %get3A_122 = arith.constant 0 : index
    %get3A_123 = arith.constant 0 : index
    %get3A_124 = arith.constant 0 : index
    %get3A_125 = vector.load %arg5[%get3A_122, %get3A_123, %get3A_124] : memref<3x64x64xf32, #tpu.memory_space<vmem>>, vector<1x64x64xf32>
    %get3A_126 = vector.shape_cast %get3A_125 : vector<1x64x64xf32> to vector<64x64xf32>
    %dot_general3A_127 = arith.constant dense<0.000000e+00> : vector<1000x64xf32>
    %dot_general3A_128 = tpu.matmul %slice3A, %get3A_126, %dot_general3A_127 {dimension_numbers = #tpu.dot_dimension_numbers<[1], [0], [0], [1], [0, 0, 1, 1], [], []>, transpose_lhs_hint = false} : vector<1000x64xf32>, vector<64x64xf32>, vector<1000x64xf32> -> vector<1000x64xf32>
    %slice3A_129 = vector.extract_strided_slice %select_n3A_121 {offsets = [1, 0], sizes = [1000, 64], strides = [1, 1]} : vector<1002x64xf32> to vector<1000x64xf32>
    %get3A_130 = arith.constant 1 : index
    %get3A_131 = arith.constant 0 : index
    %get3A_132 = arith.constant 0 : index
    %get3A_133 = vector.load %arg5[%get3A_130, %get3A_131, %get3A_132] : memref<3x64x64xf32, #tpu.memory_space<vmem>>, vector<1x64x64xf32>
    %get3A_134 = vector.shape_cast %get3A_133 : vector<1x64x64xf32> to vector<64x64xf32>
    %dot_general3A_135 = arith.constant dense<0.000000e+00> : vector<1000x64xf32>
    %dot_general3A_136 = tpu.matmul %slice3A_129, %get3A_134, %dot_general3A_135 {dimension_numbers = #tpu.dot_dimension_numbers<[1], [0], [0], [1], [0, 0, 1, 1], [], []>, transpose_lhs_hint = false} : vector<1000x64xf32>, vector<64x64xf32>, vector<1000x64xf32> -> vector<1000x64xf32>
    %add3A_137 = arith.addf %dot_general3A_128, %dot_general3A_136 : vector<1000x64xf32>
    %slice3A_138 = vector.extract_strided_slice %select_n3A_121 {offsets = [2, 0], sizes = [1000, 64], strides = [1, 1]} : vector<1002x64xf32> to vector<1000x64xf32>
    %get3A_139 = arith.constant 2 : index
    %get3A_140 = arith.constant 0 : index
    %get3A_141 = arith.constant 0 : index
    %get3A_142 = vector.load %arg5[%get3A_139, %get3A_140, %get3A_141] : memref<3x64x64xf32, #tpu.memory_space<vmem>>, vector<1x64x64xf32>
    %get3A_143 = vector.shape_cast %get3A_142 : vector<1x64x64xf32> to vector<64x64xf32>
    %dot_general3A_144 = arith.constant dense<0.000000e+00> : vector<1000x64xf32>
    %dot_general3A_145 = tpu.matmul %slice3A_138, %get3A_143, %dot_general3A_144 {dimension_numbers = #tpu.dot_dimension_numbers<[1], [0], [0], [1], [0, 0, 1, 1], [], []>, transpose_lhs_hint = false} : vector<1000x64xf32>, vector<64x64xf32>, vector<1000x64xf32> -> vector<1000x64xf32>
    %add3A_146 = arith.addf %add3A_137, %dot_general3A_145 : vector<1000x64xf32>
    %get3A_147 = arith.constant 1 : index
    %get3A_148 = arith.constant 0 : index
    %get3A_149 = vector.load %arg6[%get3A_147, %get3A_148] : memref<2x64xf32, #tpu.memory_space<vmem>>, vector<1x64xf32>
    %add3A_150 = vector.broadcast %get3A_149 : vector<1x64xf32> to vector<1000x64xf32>
    %add3A_151 = arith.addf %add3A_146, %add3A_150 : vector<1000x64xf32>
    %max3A_152 = arith.constant 0.000000e+00 : f32
    %max3A_153 = vector.broadcast %max3A_152 : f32 to vector<1000x64xf32>
    %max3A_154 = arith.maximumf %add3A_151, %max3A_153 : vector<1000x64xf32>
    %mul3A_155 = arith.constant 1000 : i32
    %mul3A_156 = arith.muli %arg1, %mul3A_155 : i32
    %iota3A_157 = tpu.iota {dimensions = array<i32: 0>} : vector<1000x1xi32>
    %add3A_158 = vector.broadcast %mul3A_156 : i32 to vector<1000x1xi32>
    %add3A_159 = arith.addi %add3A_158, %iota3A_157 : vector<1000x1xi32>
    %lt3A_160 = vector.broadcast %get3A_5 : i32 to vector<1000x1xi32>
    %lt3A_161 = arith.cmpi slt, %add3A_159, %lt3A_160 : vector<1000x1xi32>
    %jit3A_162 = arith.constant 0xFF800000 : f32
    %broadcast_in_dim3A_163 = vector.shape_cast %lt3A_161 : vector<1000x1xi1> to vector<1000x1xi1>
    %broadcast_in_dim3A_164 = vector.broadcast %broadcast_in_dim3A_163 : vector<1000x1xi1> to vector<1000x64xi1>
    %broadcast_in_dim3A_165 = vector.broadcast %jit3A_162 : f32 to vector<1000x64xf32>
    %select_n3A_166 = arith.select %broadcast_in_dim3A_164, %max3A_154, %broadcast_in_dim3A_165 : vector<1000x64xi1>, vector<1000x64xf32>
    %reduce_max3A_167 = arith.constant dense<0xFF800000> : vector<64xf32>
    %reduce_max3A_168 = vector.multi_reduction <maximumf>, %select_n3A_166, %reduce_max3A_167 [0] : vector<1000x64xf32> to vector<64xf32>
    %broadcast_in_dim3A_169 = vector.shape_cast %reduce_max3A_168 : vector<64xf32> to vector<1x64xf32>
    %broadcast_in_dim3A_170 = vector.shape_cast %broadcast_in_dim3A_169 : vector<1x64xf32> to vector<1x1x64xf32>
    %eq3A = arith.constant 0 : i32
    %eq3A_171 = arith.cmpi eq, %arg1, %eq3A : i32
    %convert_element_type3A = arith.extui %eq3A_171 : i1 to i32
    %cond3A = arith.constant 0 : i32
    %cond3A_172 = arith.cmpi ne, %convert_element_type3A, %cond3A : i32
    scf.if %cond3A_172 {
      %swap3A = arith.constant 0 : index
      %swap3A_177 = arith.constant 0 : index
      %swap3A_178 = arith.constant 0 : index
      %swap3A_179 = vector.load %arg7[%swap3A, %swap3A_177, %swap3A_178] : memref<1x1x64xf32, #tpu.memory_space<vmem>>, vector<1x1x64xf32>
      tpu.vector_store %arg7[%swap3A, %swap3A_177, %swap3A_178], %broadcast_in_dim3A_170 {strides = array<i32>} : memref<1x1x64xf32, #tpu.memory_space<vmem>>, vector<1x1x64xf32>,
    } else {
    }
    %gt3A = arith.constant 0 : i32
    %gt3A_173 = arith.cmpi sgt, %arg1, %gt3A : i32
    %convert_element_type3A_174 = arith.extui %gt3A_173 : i1 to i32
    %cond3A_175 = arith.constant 0 : i32
    %cond3A_176 = arith.cmpi ne, %convert_element_type3A_174, %cond3A_175 : i32
    scf.if %cond3A_176 {
      %get3A_177 = arith.constant 0 : index
      %get3A_178 = arith.constant 0 : index
      %get3A_179 = arith.constant 0 : index
      %get3A_180 = vector.load %arg7[%get3A_177, %get3A_178, %get3A_179] : memref<1x1x64xf32, #tpu.memory_space<vmem>>, vector<1x1x64xf32>
      %max3A_181 = arith.maximumf %get3A_180, %broadcast_in_dim3A_170 : vector<1x1x64xf32>
      %swap3A = arith.constant 0 : index
      %swap3A_182 = arith.constant 0 : index
      %swap3A_183 = arith.constant 0 : index
      %swap3A_184 = vector.load %arg7[%swap3A, %swap3A_182, %swap3A_183] : memref<1x1x64xf32, #tpu.memory_space<vmem>>, vector<1x1x64xf32>
      tpu.vector_store %arg7[%swap3A, %swap3A_182, %swap3A_183], %max3A_181 {strides = array<i32>} : memref<1x1x64xf32, #tpu.memory_space<vmem>>, vector<1x1x64xf32>,
    } else {
    }
    return
  }
  func.func @transform_0(%arg0: i32, %arg1: i32, %arg2: memref<18xi32, #tpu.memory_space<smem>>) -> (i32, i32) {
    %c0_i32 = arith.constant 0 : i32
    %c0_i32_0 = arith.constant 0 : i32
    %c0_i32_1 = arith.constant 0 : i32
    return %c0_i32, %c0_i32_0 : i32, i32
  }
  func.func @transform_1(%arg0: i32, %arg1: i32, %arg2: memref<18xi32, #tpu.memory_space<smem>>) -> (i32, i32, i32) {
    %c0_i32 = arith.constant 0 : i32
    %c0_i32_0 = arith.constant 0 : i32
    %c0_i32_1 = arith.constant 0 : i32
    %c0_i32_2 = arith.constant 0 : i32
    return %c0_i32, %c0_i32_0, %c0_i32_1 : i32, i32, i32
  }
  func.func @transform_2(%arg0: i32, %arg1: i32, %arg2: memref<18xi32, #tpu.memory_space<smem>>) -> (i32, i32, i32) {
    %c0_i32 = arith.constant 0 : i32
    %c0_i32_0 = arith.constant 0 : i32
    %c0_i32_1 = arith.constant 0 : i32
    %c0_i32_2 = arith.constant 0 : i32
    return %c0_i32, %c0_i32_0, %c0_i32_1 : i32, i32, i32
  }
  func.func @transform_3(%arg0: i32, %arg1: i32, %arg2: memref<18xi32, #tpu.memory_space<smem>>) -> (i32, i32) {
    %c0_i32 = arith.constant 0 : i32
    %c0_i32_0 = arith.constant 0 : i32
    %c0_i32_1 = arith.constant 0 : i32
    return %c0_i32, %c0_i32_0 : i32, i32
  }
  func.func @transform_4(%arg0: i32, %arg1: i32, %arg2: memref<18xi32, #tpu.memory_space<smem>>) -> (i32, i32, i32) {
    %c0_i32 = arith.constant 0 : i32
    %c0_i32_0 = arith.constant 0 : i32
    %c0_i32_1 = arith.constant 0 : i32
    return %arg0, %c0_i32, %c0_i32_0 : i32, i32, i32
  }
}

module attributes {stable_mosaic.version = 14 : i64} {
  func.func @body(%arg0: memref<2x10112x128xf32, #tpu.memory_space<vmem>>, %arg1: memref<10000x128xf32, #tpu.memory_space<vmem>>, %arg2: memref<10000x1xf32, #tpu.memory_space<vmem>>, %arg3: memref<1x64xf32, #tpu.memory_space<vmem>>, %arg4: memref<10000x64xf32, #tpu.memory_space<vmem>>) attributes {dimension_semantics = [], scalar_prefetch = 0 : i64, scratch_operands = 0 : i64, tpu.core_type = #tpu.core_type<tc>} {
    %get3A = arith.constant 0 : index
    %get3A_0 = arith.constant 0 : index
    %get3A_1 = arith.constant 0 : index
    %get3A_2 = vector.load %arg0[%get3A, %get3A_0, %get3A_1] : memref<2x10112x128xf32, #tpu.memory_space<vmem>>, vector<1x10000x64xf32>
    %get3A_3 = vector.shape_cast %get3A_2 : vector<1x10000x64xf32> to vector<10000x64xf32>
    %get3A_4 = arith.constant 1 : index
    %get3A_5 = arith.constant 0 : index
    %get3A_6 = arith.constant 0 : index
    %get3A_7 = vector.load %arg0[%get3A_4, %get3A_5, %get3A_6] : memref<2x10112x128xf32, #tpu.memory_space<vmem>>, vector<1x10000x64xf32>
    %get3A_8 = vector.shape_cast %get3A_7 : vector<1x10000x64xf32> to vector<10000x64xf32>
    %add3A = arith.addf %get3A_3, %get3A_8 : vector<10000x64xf32>
    %get3A_9 = arith.constant 0 : index
    %get3A_10 = arith.constant 0 : index
    %get3A_11 = vector.load %arg2[%get3A_9, %get3A_10] : memref<10000x1xf32, #tpu.memory_space<vmem>>, vector<10000x1xf32>
    %get3A_12 = arith.constant 0 : index
    %get3A_13 = arith.constant 0 : index
    %get3A_14 = vector.load %arg1[%get3A_12, %get3A_13] : memref<10000x128xf32, #tpu.memory_space<vmem>>, vector<10000x64xf32>
    %add3A_15 = arith.addf %add3A, %get3A_14 : vector<10000x64xf32>
    %mul3A = vector.broadcast %get3A_11 : vector<10000x1xf32> to vector<10000x64xf32>
    %mul3A_16 = arith.mulf %mul3A, %add3A_15 : vector<10000x64xf32>
    %get3A_17 = arith.constant 0 : index
    %get3A_18 = arith.constant 0 : index
    %get3A_19 = vector.load %arg3[%get3A_17, %get3A_18] : memref<1x64xf32, #tpu.memory_space<vmem>>, vector<1x64xf32>
    %add3A_20 = vector.broadcast %get3A_19 : vector<1x64xf32> to vector<10000x64xf32>
    %add3A_21 = arith.addf %mul3A_16, %add3A_20 : vector<10000x64xf32>
    %max3A = arith.constant 0.000000e+00 : f32
    %max3A_22 = vector.broadcast %max3A : f32 to vector<10000x64xf32>
    %max3A_23 = arith.maximumf %add3A_21, %max3A_22 : vector<10000x64xf32>
    %swap3A = arith.constant 0 : index
    %swap3A_24 = arith.constant 0 : index
    %swap3A_25 = vector.load %arg4[%swap3A, %swap3A_24] : memref<10000x64xf32, #tpu.memory_space<vmem>>, vector<10000x64xf32>
    tpu.vector_store %arg4[%swap3A, %swap3A_24], %max3A_23 {strides = array<i32>} : memref<10000x64xf32, #tpu.memory_space<vmem>>, vector<10000x64xf32>,
    return
  }
}

</mosaic_0001>

<sc_bundles>
// kernel: kernel.12.cloned.1.call-start
scs
__scs_entry_jumppad:
0x0: {  	(pc) =	sbr.rel $0x88, $3  }
0x1: {  	(tag) =	ssettag $0x0;
	lr =	simm.s32 $0x1  }
0x2: {  	[smem:$0x3F96] =	sst lr;
	_ =	strace $0xD0000000  }
0x3: {  	_ = 	snop  }
0x4: {  	_ = 	snop  }
0x5: {  	_ = 	snop  }
0x6: {  	_ = 	snop  }
0x7: {  	_ = 	snop  }
__scs_overlays_trampoline_lowered:
0x8: {  	[smem:$0x3FA5] =	sst s0  }
0x9: {  	[smem:$0x3FA6] =	sst s1  }
0xa: {  	[smem:$0x3FA7] =	sst s2  }
0xb: {  	[smem:$0x3FA8] =	sst s3  }
0xc: {  	[smem:$0x3FA9] =	sst s4  }
0xd: {  	[smem:$0x3FAA] =	sst s5  }
0xe: {  	[smem:$0x3FAB] =	sst s6  }
0xf: {  	[smem:$0x3FAC] =	sst s7  }
0x10: {  	[smem:$0x3FAD] =	sst s8  }
0x11: {  	[smem:$0x3FAE] =	sst s9;
	s0 =	simm.s32 @!p0 $0x0  }
0x12: {  	s1 =	sld [smem:$0x3F94];
	s0 =	simm.s32 @p0 $0x1  }
0x13: {  	[smem:$0x3FAF] =	sst s0;
	s0 =	simm.s32 @!p1 $0x0  }
0x14: {  	s2 =	sld [smem:$0x3F93];
	s0 =	simm.s32 @p1 $0x1  }
0x15: {  	[smem:$0x3FB0] =	sst s0;
	s0 =	simm.s32 @!p2 $0x0  }
0x16: {  	s3 =	sld [smem:$0x3FDB];
	s0 =	simm.s32 @p2 $0x1  }
0x17: {  	s4 =	simm.s32 $0x1BF5;
	[smem:$0x3FB2] =	sst s0  }
0x18: {  	s0 =	sld [smem:$0x3F95];
	_ =	swait.ge [sflag:s4], $0x0  }
0x19: {  	s7 =	sld [smem:$0x3F96]  }
0x1a: {  	s8 =	sadd.s32 $0xFFFFE003, lr  }
0x1b: {  	s9 =	sadd.s32 $0xFFFFFEF7, lr;
	s5 =	simm.s32 $0xFFFFFFFF;
	p2 =	slt.u32 s8, $0xFFFFF086  }
0x1c: {  	p1 =	slt.u32 s9, $0xF7A;
	s5 =	simm.s32 @!p2 $0x0  }
0x1d: {  	s5 =	simm.s32 @p1 $0x1;
	p0 =	seq.s32 s7, s2  }
0x1e: {  	s7 =	smul.u32 @!p0 $0xF7A, s2;
	p2 =	seq.s32 @!p0 s5, $0x0  }
0x1f: {  	s9 =	smul.u32 $0xF7A, s1;
	s8 =	simm.s32 @!p0 $0x1BF5;
	p2 =	por !p2, p0  }
0x20: {  	[sflag:s8] =	ssyncset.s32 @!p0 $0xFFFFF086;
	s6 =	sadd.s32 @!p0 s3, s7;
	s7 =	simm.s32 @!p0 $0x108  }
0x21: {  	s3 =	sadd.s32 s3, s9;
	s6 =	sadd.s32 @!p0 $0x88, s6;
	s7 =	simm.s32 @p2 $0x1082  }
0x22: {  	[simem:s7], [sflag:s8] =	dma.local @!p0 [hbm:s6], $0xF7A  }
0x23: {  	s9 =	sor.u32 $0xD0000000, s2;
	s6 =	simm.s32 $0x108;
	_ =	swait.ge @!p0 [sflag:s8], $0x0  }
0x24: {  	s3 =	sadd.s32 $0x88, s3;
	s6 =	simm.s32 @!p1 $0x1082;
	[sflag:s4] =	ssyncset.s32 $0xFFFFF086  }
0x25: {  	[simem:s6], [sflag:s4] =	dma.local [hbm:s3], $0xF7A  }
0x26: {  	[smem:$0x3F96] =	sst s1;
	(tag) =	ssettag s2;
	_ =	strace s9  }
0x27: {  	s1 =	sld [smem:$0x3FA6]  }
0x28: {  	s2 =	sld [smem:$0x3FA7]  }
0x29: {  	s4 =	sld [smem:$0x3FA9]  }
0x2a: {  	p0 =	seq.s32 s5, $0x0;
	s5 =	sld [smem:$0x3FAA]  }
0x2b: {  	s6 =	sld [smem:$0x3FAB]  }
0x2c: {  	s7 =	sld [smem:$0x3FAC]  }
0x2d: {  	s3 =	simm.s32 $0x108;
	s8 =	sld [smem:$0x3FAD]  }
0x2e: {  	s3 =	simm.s32 @!p0 $0x1082;
	s9 =	sld [smem:$0x3FAE]  }
0x2f: {  	lr =	sadd.s32 s0, s3;
	s0 =	sld [smem:$0x3FA5]  }
0x30: {  	s3 =	sld [smem:$0x3FA8]  }
0x31: {  	[smem:$0x3FB1] =	sst s10  }
0x32: {  	s10 =	sld [smem:$0x3FAF];
	_ =	sdelay $0x3  }
0x33: {  	p0 =	seq.s32 s10, $0x1;
	s10 =	sld [smem:$0x3FB1];
	_ =	sdelay $0x3  }
0x34: {  	[smem:$0x3FB1] =	sst s10  }
0x35: {  	s10 =	sld [smem:$0x3FB0];
	_ =	sdelay $0x3  }
0x36: {  	p1 =	seq.s32 s10, $0x1;
	s10 =	sld [smem:$0x3FB1];
	_ =	sdelay $0x3  }
0x37: {  	[smem:$0x3FB1] =	sst s10  }
0x38: {  	s10 =	sld [smem:$0x3FB2]  }
0x39: {  	_ = 	snop;
	(pc) =	sbr.ind lr, $3  }
0x3a: {  	_ = 	snop  }
0x3b: {  	_ = 	snop  }
0x3c: {  	p2 =	seq.s32 s10, $0x1;
	s10 =	sld [smem:$0x3FB1]  }
0x3d: {  	_ =	shalt  }
0x3e: {  	_ =	shalt  }
0x3f: {  	_ =	shalt  }
0x40: {  	_ =	shalt  }
0x41: {  	_ =	shalt  }
0x42: {  	_ =	shalt  }
0x43: {  	_ =	shalt  }
0x44: {  	_ =	shalt  }
0x45: {  	_ =	shalt  }
0x46: {  	_ =	shalt  }
0x47: {  	_ =	shalt  }
0x48: {  	_ =	shalt  }
0x49: {  	_ =	shalt  }
0x4a: {  	_ =	shalt  }
0x4b: {  	_ =	shalt  }
0x4c: {  	_ =	shalt  }
0x4d: {  	_ =	shalt  }
0x4e: {  	_ =	shalt  }
0x4f: {  	_ =	shalt  }
0x50: {  	_ =	shalt  }
0x51: {  	_ =	shalt  }
0x52: {  	_ =	shalt  }
0x53: {  	_ =	shalt  }
0x54: {  	_ =	shalt  }
0x55: {  	_ =	shalt  }
0x56: {  	_ =	shalt  }
0x57: {  	_ =	shalt  }
0x58: {  	_ =	shalt  }
0x59: {  	_ =	shalt  }
0x5a: {  	_ =	shalt  }
0x5b: {  	_ =	shalt  }
0x5c: {  	_ =	shalt  }
0x5d: {  	_ =	shalt  }
0x5e: {  	_ =	shalt  }
0x5f: {  	_ =	shalt  }
0x60: {  	_ =	shalt  }
0x61: {  	_ =	shalt  }
0x62: {  	_ =	shalt  }
0x63: {  	_ =	shalt  }
0x64: {  	_ =	shalt  }
0x65: {  	_ =	shalt  }
0x66: {  	_ =	shalt  }
0x67: {  	_ =	shalt  }
0x68: {  	_ =	shalt  }
0x69: {  	_ =	shalt  }
0x6a: {  	_ =	shalt  }
0x6b: {  	_ =	shalt  }
0x6c: {  	_ =	shalt  }
0x6d: {  	_ =	shalt  }
0x6e: {  	_ =	shalt  }
0x6f: {  	_ =	shalt  }
0x70: {  	_ =	shalt  }
0x71: {  	_ =	shalt  }
0x72: {  	_ =	shalt  }
0x73: {  	_ =	shalt  }
0x74: {  	_ =	shalt  }
0x75: {  	_ =	shalt  }
0x76: {  	_ =	shalt  }
0x77: {  	_ =	shalt  }
0x78: {  	_ =	shalt  }
0x79: {  	_ =	shalt  }
0x7a: {  	_ =	shalt  }
0x7b: {  	_ =	shalt  }
0x7c: {  	_ =	shalt  }
0x7d: {  	_ =	shalt  }
0x7e: {  	_ =	shalt  }
0x7f: {  	_ =	shalt  }
0x80: {  	_ =	shalt  }
0x81: {  	_ =	shalt  }
0x82: {  	_ =	shalt  }
0x83: {  	_ =	shalt  }
0x84: {  	_ =	shalt  }
0x85: {  	_ =	shalt  }
0x86: {  	_ =	shalt  }
0x87: {  	_ =	shalt  }
.Lfunc_end0:
.L_simem_size_0:
called_computation.1_lowered:
.L_overlay_start_0:
0x88: {  	s2 =	sld [smem:$0x3FD9]  }
0x89: {  	s3 =	sld [smem:$0x3FFE];
	_ =	sdelay $0x1  }
0x8a: {  	s1 =	srdreg.scid  }
0x8b: {  	s0 =	sand.u32 $0x1, s1  }
0x8c: {  	s14 =	sshll.u32 s0, $0xA;
	s2 =	sadd.s32 s3, s2  }
0x8d: {  	s2 =	sadd.s32 s2, s14  }
0x8e: {  	[smem:$0x3FBD] =	sst s2  }
0x8f: {  	_ = 	snop  }
0x90: {  	s2 =	sld [smem:$0x3FD0];
	_ =	sdelay $0x2  }
0x91: {  	s15 =	simm.s32 $0xA;
	s4 =	simm.s32 $0x10  }
0x92: {  	[smem:s4], [sflag:s15] =	dma.local [hbm:s2], $0x1  }
0x93: {  	_ =	swait.eq [sflag:s15], $0x1  }
0x94: {  	[sflag:s15] =	ssyncset.done $0x0  }
0x95: {  	[sflag:s15] =	ssyncadd.s32 $0xFFFFFFFF  }
0x96: {  	s16 =	sld [smem:$0x10];
	(tm) =	ssettm $0x1  }
0x97: {  	s17 =	sld [smem:$0x3FFB];
	_ =	sdelay $0x3  }
0x98: {  	_ =	strace s17  }
0x99: {  	s3 =	sld [smem:$0x3FFC];
	_ =	sdelay $0x3  }
0x9a: {  	_ =	strace s3  }
0x9b: {  	s3 =	sld [smem:$0x3FFD];
	_ =	sdelay $0x3  }
0x9c: {  	_ =	strace s3  }
0x9d: {  	_ =	strace $0x8FFFFFFF  }
0x9e: {  	s18 =	sld [smem:$0x3FDB];
	_ =	sdelay $0x1  }
0x9f: {  	s19 =	simm.s32 $_scs_section_size  }
0xa0: {  	s5 =	simm.s32 $_size__tile_overlayer_lowered;
	s6 =	simm.s32 $_tile_overlayer_lowered  }
0xa1: {  	s22 =	simm.s32 $0x1BFF;
	s21 =	sshll.u32 s6, $0x1;
	s3 =	sadd.s32 s19, s18  }
0xa2: {  	s7 =	simm.s32 $0x0;
	s20 =	sshll.u32 s5, $0x1;
	s5 =	sadd.s32 s21, s3  }
0xa3: {  	[timem:s7], [sflag:s22] =	dma.local [hbm:s5], s20  }
0xa4: {  	_ =	swait.ge [sflag:s22], s20  }
0xa5: {  	s4 =	ssub.s32 $0x0, s20;
	[sflag:s22] =	ssyncset.done $0x0  }
0xa6: {  	[sflag:s22] =	ssyncadd.s32 s4;
	_ =	sdelay $0x1  }
0xa7: {  	s23 =	simm.s32 $0x1B8B  }
0xa8: {  	_ =	swait.ge [sflag:s23], $0x1  }
0xa9: {  	[sflag:s23] =	ssyncset.done $0x0  }
0xaa: {  	s25 =	simm.s32 $0x1B8E;
	s24 =	sld [smem:$0x3FFE];
	[sflag:s23] =	ssyncadd.s32 $0xFFFFFFFF  }
0xab: {  	s26 =	simm.s32 $execute0_lowered;
	[smem:$0x3FD2] =	sst s25  }
0xac: {  	s5 =	sshll.u32 s26, $0x1;
	_ =	strace $0x80000049;
	[dreg:$0x1] =	wrdreg $0xFFFFFFFF  }
0xad: {  	s28 =	simm.s32 $_size_execute0_lowered;
	s3 =	sadd.s32 s3, s5;
	[dreg:$0x0] =	wrdreg $0x0  }
0xae: {  	s5 =	sshll.u32 s28, $0x1;
	[dreg:$0x2] =	wrdreg s3  }
0xaf: {  	[dreg:$0x3] =	wrdreg s5  }
0xb0: {  	[dreg:$0x4] =	wrdreg $0xC0  }
0xb1: {  	_ =	task [dreg:s7], $0x5FFFF  }
0xb2: {  	[dreg:$0x1] =	wrdreg $0xFFFFFFFF  }
0xb3: {  	[dreg:$0x0] =	wrdreg $0x60  }
0xb4: {  	[dreg:$0x2] =	wrdreg s24  }
0xb5: {  	[dreg:$0x3] =	wrdreg s16  }
0xb6: {  	[dreg:$0x4] =	wrdreg $0xAD000  }
0xb7: {  	[dreg:$0x5] =	wrdreg $0x9  }
0xb8: {  	_ =	task.clear_ibuf [dreg:s7], $0x6FFFF;
	_ =	strace $0x90000049  }
0xb9: {  	s29 =	simm.s32 $0x9;
	_ =	strace $0x8000004B  }
0xba: {  	_ =	swait.ge [sflag:s29], $0x1  }
0xbb: {  	[sflag:s29] =	ssyncadd.s32 $0xFFFFFFFF  }
0xbc: {  	_ =	strace $0x9000004B  }
0xbd: {  	_ =	sfence  }
0xbe: {  	s30 =	sld [smem:$0x0];
	_ =	sdelay $0x2  }
0xbf: {  	s31 =	sshll.u32 s1, $0xD;
	s1 =	sshrl.u32 s1, $0x2  }
0xc0: {  	s3 =	sand.u32 $0x4000, s31;
	s1 =	sadd.s32 s1, s30  }
0xc1: {  	s0 =	sor.u32 s3, s0;
	s1 =	sshll.u32 s1, $0x11  }
0xc2: {  	s0 =	sor.u32 s1, s0  }
0xc3: {  	s0 =	sadd.s32 $0x8F2B, s0  }
0xc4: {  	[sflag:s0] =	ssyncadd.remote.s32 $0x1  }
0xc5: {  	_ =	sfence.sel $0xFFFF  }
0xc6: {  	[dreg:$0x0] =	wrdreg $0xFFFFFFFF;
	(pc) =	sbr.abs _section_cstart, $3  }
0xc7: {  	[dreg:$0x1] =	wrdreg $0xFFFFFFFF  }
0xc8: {  	_ =	task.clear_ibuf [dreg:s7], $0x2FFFF;
	_ =	strace $0x9FFFFFFF  }
0xc9: {  	(tm) =	ssettm $0x7FFFFFFF  }
tec
execute0_lowered:
.L_overlay_start_1:
0x0: {  	(tag) =	ssettag $0x1  }
0x1: {  	s8 =	rddreg [dreg:$0x0]  }
0x2: {  	s1 =	srdreg.scid;
	s2 =	rddreg [dreg:$0x1]  }
0x3: {  	s0 =	stileid.u32;
	s3 =	rddreg [dreg:$0x2]  }
0x4: {  	s5 =	simm.s32 $0x0;
	s17 =	simm.s32 $0x2D00;
	s18 =	simm.s32 $0x6D00  }
0x5: {  	s19 =	simm.s32 $0x2C00;
	s20 =	simm.s32 $0x2C80;
	s21 =	simm.s32 $0x1  }
0x6: {  	s22 =	simm.s32 $0x3;
	s23 =	simm.s32 $0x2;
	s24 =	simm.s32 $0x4  }
0x7: {  	s25 =	simm.s32 $0x0;
	s7 =	sand.u32 $0x1, s1;
	s28 =	sshll.u32 s0, $0x1  }
0x8: {  	[smem:$0x7FF] =	sst s5;
	s10 =	smul.u32 $0x13C00, s0;
	s6 =	sadd.s32 $0x6200, s8  }
0x9: {  	s14 =	smul.u32 $0x4F000, s0;
	s31 =	sshll.u32 s0, $0x6;
	s1 =	sor.u32 s7, s28  }
0xa: {  	s9 =	smul.u32 $0x13C000, s7;
	s29 =	ssub.s32 $0x2, s7;
	s7 =	sadd.s32 $0x3A00, s8  }
0xb: {  	s4 =	smul.u32 $0x2C00, s1;
	s1 =	rddreg [dreg:$0x3];
	_ =	strace $0x8000004A  }
0xc: {  	s13 =	sshrl.u32 s29, $0x1;
	s30 =	sshrl.u32 s14, $0x2;
	s14 =	sor.u32 $0x1C05, s31  }
0xd: {  	s9 =	sadd.s32 s10, s9;
	s13 =	ssub.s32 s29, s13;
	s11 =	sshrl.u32 s4, $0x3  }
0xe: {  	s16 =	sadd.s32 s30, s3;
	s9 =	sshrl.u32 s9, $0x3;
	s12 =	sadd.s32 s11, s8  }
0xf: {  	s15 =	sadd.s32 s9, s8;
	s9 =	sadd.s32 s2, s11;
	s8 =	sadd.s32 $0x55200, s12  }
0x10: {  	s10 =	sadd.s32 $0x10, s9;
	s11 =	sadd.s32 $0x60200, s15;
	s12 =	smax.u32 s13, $0x1  }
0x11: {  	s13 =	simm.s32 $0x5;
	s15 =	sshrl.u32 s16, $0x3;
	s16 =	simm.s32 $0x80  }
.LBB2_1:
0x12: {  	[tilespmem:s5], [sflag:$0x5] =	stream.linear.gather [hbm4b:s8+s5], $0x2900, $0x38;
	[tilespmem:$0x1E900] =	vst v63  }
0x13: {  	_ =	swait.ge [sflag:s13], $0x2900  }
0x14: {  	[sflag:s13] =	ssyncset.done $0x0  }
0x15: {  	[sflag:s13] =	ssyncadd.s32 $0xFFFFD700  }
0x16: {  	[spmem:s15], [sflag:s14] =	dma.local [hbm:s7], $0x2780  }
0x17: {  	_ =	swait.ge [sflag:s13], $0x2780  }
0x18: {  	[sflag:s13] =	ssyncset.done $0x0  }
0x19: {  	[sflag:s13] =	ssyncadd.s32 $0xFFFFD880  }
0x1a: {  	[bflag:$0x0] =	sbarrier.arrive $0xFFFF  }
0x1b: {  	[tilespmem:s17], [sflag:$0x1] =	stream.indirect.gather [hbm4b:s6+s16], $0x80, s5, s16, $0xb8;
	[tilespmem:$0x1E900] =	vst v63  }
0x1c: {  	_ = 	snop  }
0x1d: {  	[tilespmem:s18], [sflag:$0x2] =	stream.indirect.gather [hbm4b:s6+s16], $0x80, s16, s16, $0xb8;
	[tilespmem:$0x1E900] =	vst v63  }
0x1e: {  	_ = 	snop  }
0x1f: {  	[tilespmem:s19], [sflag:$0x3] =	stream.linear.gather [hbm4b:s9+s5], $0x80, $0x38;
	[tilespmem:$0x1E900] =	vst v63  }
0x20: {  	_ = 	snop  }
0x21: {  	[tilespmem:s20], [sflag:$0x4] =	stream.linear.gather [hbm4b:s10+s5], $0x80, $0x38;
	[tilespmem:$0x1E900] =	vst v63  }
0x22: {  	_ =	swait.ge [sflag:s21], $0x4000  }
0x23: {  	[sflag:s21] =	ssyncset.done $0x0  }
0x24: {  	[sflag:s21] =	ssyncadd.s32 $0xFFFFC000  }
0x25: {  	_ =	swait.ge [sflag:s22], $0x80  }
0x26: {  	s26 =	simm.s32 $0x100;
	[sflag:s22] =	ssyncset.done $0x0  }
0x27: {  	s28 =	sand.u32 $0x7C00, s26;
	[sflag:s22] =	ssyncadd.s32 $0xFFFFFF80  }
0x28: {  	[spmem:s3] =	stream.indirect.scatter.add.f32 [tilespmem:s17], [sflag:$0x5], $0x80, s19, s16, $0xb8;
	[tilespmem:$0x1E900] =	vst v63  }
0x29: {  	s29 =	sand.u32 $0x300, s26;
	s28 =	sadd.s32 s4, s28;
	_ =	swait.ge [sflag:s13], $0x4000  }
0x2a: {  	s28 =	sor.u32 s29, s28;
	[sflag:s13] =	ssyncset.done $0x0  }
0x2b: {  	s26 =	simm.s32 $0x100;
	s28 =	sshrl.u32 s28, $0x3;
	[sflag:s13] =	ssyncadd.s32 $0xFFFFC000  }
0x2c: {  	[tilespmem:s17], [sflag:$0x1] =	stream.indirect.gather [hbm4b:s6+s16], $0x80, s26, s16, $0xb8;
	[tilespmem:$0x1E900] =	vst v63  }
0x2d: {  	s28 =	sadd.s32 s2, s28  }
0x2e: {  	[tilespmem:s19], [sflag:$0x3] =	stream.linear.gather [hbm4b:s28+s5], $0x80, $0x38;
	[tilespmem:$0x1E900] =	vst v63  }
0x2f: {  	_ =	swait.ge [sflag:s23], $0x4000  }
0x30: {  	[sflag:s23] =	ssyncset.done $0x0  }
0x31: {  	[sflag:s23] =	ssyncadd.s32 $0xFFFFC000  }
0x32: {  	_ =	swait.ge [sflag:s24], $0x80  }
0x33: {  	s28 =	simm.s32 $0x180;
	[sflag:s24] =	ssyncset.done $0x0  }
0x34: {  	s29 =	sand.u32 $0x7C00, s28;
	[sflag:s24] =	ssyncadd.s32 $0xFFFFFF80  }
0x35: {  	[spmem:s3] =	stream.indirect.scatter.add.f32 [tilespmem:s18], [sflag:$0x5], $0x80, s20, s16, $0xb8;
	[tilespmem:$0x1E900] =	vst v63  }
0x36: {  	s28 =	sand.u32 $0x380, s28;
	s29 =	sadd.s32 s4, s29;
	_ =	swait.ge [sflag:s13], $0x4000  }
0x37: {  	s30 =	simm.s32 $0x180;
	s29 =	sor.u32 s28, s29;
	[sflag:s13] =	ssyncset.done $0x0  }
0x38: {  	s28 =	simm.s32 $0x280;
	s29 =	sshrl.u32 s29, $0x3;
	[sflag:s13] =	ssyncadd.s32 $0xFFFFC000  }
0x39: {  	[tilespmem:s18], [sflag:$0x2] =	stream.indirect.gather [hbm4b:s6+s16], $0x80, s30, s16, $0xb8;
	[tilespmem:$0x1E900] =	vst v63  }
.LBB2_2:
0x3a: {  	p0 =	sne.s32 s28, $0x2880;
	s29 =	sadd.s32 s2, s29;
	s26 =	sadd.s32 $0x100, s26  }
0x3b: {  	[tilespmem:s20], [sflag:$0x4] =	stream.linear.gather [hbm4b:s29+s5], $0x80, $0x38;
	[tilespmem:$0x1E900] =	vst v63  }
0x3c: {  	s29 =	smov.u32 s28;
	s28 =	sadd.s32 $0x100, s28;
	_ =	swait.ge [sflag:s21], $0x4000  }
0x3d: {  	[sflag:s21] =	ssyncset.done $0x0  }
0x3e: {  	[sflag:s21] =	ssyncadd.s32 $0xFFFFC000  }
0x3f: {  	_ =	swait.ge [sflag:s22], $0x80  }
0x40: {  	[sflag:s22] =	ssyncset.done $0x0  }
0x41: {  	s30 =	sadd.s32 $0xFFFFFF80, s29;
	[sflag:s22] =	ssyncadd.s32 $0xFFFFFF80  }
0x42: {  	[spmem:s3] =	stream.indirect.scatter.add.f32 [tilespmem:s17], [sflag:$0x5], $0x80, s19, s16, $0xb8;
	[tilespmem:$0x1E900] =	vst v63  }
0x43: {  	s31 =	sand.u32 $0x7C00, s30;
	_ =	swait.ge [sflag:s13], $0x4000  }
0x44: {  	s30 =	sand.u32 $0x300, s30;
	s31 =	sadd.s32 s4, s31;
	[sflag:s13] =	ssyncset.done $0x0  }
0x45: {  	s30 =	sor.u32 s30, s31;
	[sflag:s13] =	ssyncadd.s32 $0xFFFFC000  }
0x46: {  	[tilespmem:s17], [sflag:$0x1] =	stream.indirect.gather [hbm4b:s6+s16], $0x80, s26, s16, $0xb8;
	[tilespmem:$0x1E900] =	vst v63  }
0x47: {  	s30 =	sshrl.u32 s30, $0x3  }
0x48: {  	s30 =	sadd.s32 s2, s30  }
0x49: {  	[tilespmem:s19], [sflag:$0x3] =	stream.linear.gather [hbm4b:s30+s5], $0x80, $0x38;
	[tilespmem:$0x1E900] =	vst v63  }
0x4a: {  	_ =	swait.ge [sflag:s23], $0x4000  }
0x4b: {  	[sflag:s23] =	ssyncset.done $0x0  }
0x4c: {  	[sflag:s23] =	ssyncadd.s32 $0xFFFFC000  }
0x4d: {  	_ =	swait.ge [sflag:s24], $0x80  }
0x4e: {  	[sflag:s24] =	ssyncset.done $0x0  }
0x4f: {  	s30 =	sand.u32 $0x7C00, s29;
	[sflag:s24] =	ssyncadd.s32 $0xFFFFFF80  }
0x50: {  	[spmem:s3] =	stream.indirect.scatter.add.f32 [tilespmem:s18], [sflag:$0x5], $0x80, s20, s16, $0xb8;
	[tilespmem:$0x1E900] =	vst v63  }
.Ltmp0:
0x51: {  	_ = 	snop;
	(pc) =	sbr.rel @p0 .LBB2_2-.Ltmp0, $4  }
0x52: {  	s29 =	sand.u32 $0x380, s29;
	s30 =	sadd.s32 s4, s30;
	_ =	swait.ge [sflag:s13], $0x4000  }
0x53: {  	s29 =	sor.u32 s29, s30;
	[sflag:s13] =	ssyncset.done $0x0  }
0x54: {  	s30 =	sadd.s32 $0x80, s26;
	s29 =	sshrl.u32 s29, $0x3;
	[sflag:s13] =	ssyncadd.s32 $0xFFFFC000  }
0x55: {  	[tilespmem:s18], [sflag:$0x2] =	stream.indirect.gather [hbm4b:s6+s16], $0x80, s30, s16, $0xb8;
	[tilespmem:$0x1E900] =	vst v63  }
0x56: {  	s26 =	sadd.s32 s2, s29  }
0x57: {  	[tilespmem:s20], [sflag:$0x4] =	stream.linear.gather [hbm4b:s26+s5], $0x80, $0x38;
	[tilespmem:$0x1E900] =	vst v63  }
0x58: {  	_ =	swait.ge [sflag:s21], $0x4000  }
0x59: {  	[sflag:s21] =	ssyncset.done $0x0  }
0x5a: {  	[sflag:s21] =	ssyncadd.s32 $0xFFFFC000  }
0x5b: {  	_ =	swait.ge [sflag:s23], $0x4000  }
0x5c: {  	[sflag:s23] =	ssyncset.done $0x0  }
0x5d: {  	[sflag:s23] =	ssyncadd.s32 $0xFFFFC000  }
0x5e: {  	_ =	swait.ge [sflag:s22], $0x80  }
0x5f: {  	[sflag:s22] =	ssyncset.done $0x0  }
0x60: {  	[sflag:s22] =	ssyncadd.s32 $0xFFFFFF80  }
0x61: {  	_ =	swait.ge [sflag:s24], $0x80  }
0x62: {  	s25 =	sadd.s32 $0x1, s25;
	[sflag:s24] =	ssyncset.done $0x0  }
0x63: {  	p0 =	sne.s32 s25, s12;
	[sflag:s24] =	ssyncadd.s32 $0xFFFFFF80  }
.Ltmp1:
0x64: {  	[bflag:$0x0] =	sbarrier.arrive $0xFFFF;
	(pc) =	sbr.rel @p0 .LBB2_1-.Ltmp1, $4  }
0x65: {  	[hbm:s11], [sflag:s14] =	dma.local [spmem:s15], $0x2780  }
0x66: {  	_ =	swait.ge [sflag:s13], $0x2780  }
0x67: {  	[sflag:s13] =	ssyncset.done $0x0  }
0x68: {  	[sflag:s13] =	ssyncadd.s32 $0xFFFFD880  }
0x69: {  	_ =	sfence.sel $0x180000  }
0x6a: {  	[bflag:$0x0] =	sbarrier.arrive $0xFFFF  }
0x6b: {  	p0 =	sne.s32 s0, $0x0;
	_ =	strace $0x9000004A  }
0x6c: {  	s0 =	sadd.s32 @!p0 $0x100000, s1;
	[bflag:$0x2] =	sbarrier.arrive $0xFFFF  }
0x6d: {  	[sflag:s0] =	ssyncadd.tile.s32 @!p0 $0x1;
	_ =	shalt  }
.Lfunc_end2:
_tile_overlayer_lowered:
.L_overlay_start_2:
0x6e: {  	(tag) =	ssettag $0x2  }
0x6f: {  	s0 =	rddreg [dreg:$0x0];
	s2 =	stileid.u32  }
0x70: {  	s1 =	rddreg [dreg:$0x1];
	p0 =	sne.s32 s2, $0x0  }
0x71: {  	s3 =	rddreg [dreg:$0x2];
	[bflag:$0x3] =	sbarrier.arrive $0xFFFF;
	s2 =	simm.s32 @!p0 $0x1C05  }
0x72: {  	[timem:s3], [sflag:s2] =	dma.local @!p0 [hbm:s0], s1  }
0x73: {  	s0 =	simm.s32 @!p0 $0x5  }
0x74: {  	_ =	swait.ge @!p0 [sflag:s0], s1  }
0x75: {  	s1 =	ssub.s32 @!p0 $0x0, s1;
	[sflag:s0] =	ssyncset.done @!p0 $0x0  }
0x76: {  	[sflag:s0] =	ssyncadd.s32 @!p0 s1  }
0x77: {  	[bflag:$0x3] =	sbarrier.arrive $0xFFFF  }
0x78: {  	_ =	shalt  }

// kernel: kernel.15.cloned.1.call-start
scs
__scs_entry_jumppad:
0x0: {  	(pc) =	sbr.rel $0x88, $3  }
0x1: {  	(tag) =	ssettag $0x0;
	lr =	simm.s32 $0x1  }
0x2: {  	[smem:$0x3F96] =	sst lr;
	_ =	strace $0xD0000000  }
0x3: {  	_ = 	snop  }
0x4: {  	_ = 	snop  }
0x5: {  	_ = 	snop  }
0x6: {  	_ = 	snop  }
0x7: {  	_ = 	snop  }
__scs_overlays_trampoline_lowered:
0x8: {  	[smem:$0x3FA5] =	sst s0  }
0x9: {  	[smem:$0x3FA6] =	sst s1  }
0xa: {  	[smem:$0x3FA7] =	sst s2  }
0xb: {  	[smem:$0x3FA8] =	sst s3  }
0xc: {  	[smem:$0x3FA9] =	sst s4  }
0xd: {  	[smem:$0x3FAA] =	sst s5  }
0xe: {  	[smem:$0x3FAB] =	sst s6  }
0xf: {  	[smem:$0x3FAC] =	sst s7  }
0x10: {  	[smem:$0x3FAD] =	sst s8  }
0x11: {  	[smem:$0x3FAE] =	sst s9;
	s0 =	simm.s32 @!p0 $0x0  }
0x12: {  	s1 =	sld [smem:$0x3F94];
	s0 =	simm.s32 @p0 $0x1  }
0x13: {  	[smem:$0x3FAF] =	sst s0;
	s0 =	simm.s32 @!p1 $0x0  }
0x14: {  	s2 =	sld [smem:$0x3F93];
	s0 =	simm.s32 @p1 $0x1  }
0x15: {  	[smem:$0x3FB0] =	sst s0;
	s0 =	simm.s32 @!p2 $0x0  }
0x16: {  	s3 =	sld [smem:$0x3FDB];
	s0 =	simm.s32 @p2 $0x1  }
0x17: {  	s4 =	simm.s32 $0x1BF5;
	[smem:$0x3FB2] =	sst s0  }
0x18: {  	s0 =	sld [smem:$0x3F95];
	_ =	swait.ge [sflag:s4], $0x0  }
0x19: {  	s7 =	sld [smem:$0x3F96]  }
0x1a: {  	s8 =	sadd.s32 $0xFFFFE003, lr  }
0x1b: {  	s9 =	sadd.s32 $0xFFFFFEF7, lr;
	s5 =	simm.s32 $0xFFFFFFFF;
	p2 =	slt.u32 s8, $0xFFFFF086  }
0x1c: {  	p1 =	slt.u32 s9, $0xF7A;
	s5 =	simm.s32 @!p2 $0x0  }
0x1d: {  	s5 =	simm.s32 @p1 $0x1;
	p0 =	seq.s32 s7, s2  }
0x1e: {  	s7 =	smul.u32 @!p0 $0xF7A, s2;
	p2 =	seq.s32 @!p0 s5, $0x0  }
0x1f: {  	s9 =	smul.u32 $0xF7A, s1;
	s8 =	simm.s32 @!p0 $0x1BF5;
	p2 =	por !p2, p0  }
0x20: {  	[sflag:s8] =	ssyncset.s32 @!p0 $0xFFFFF086;
	s6 =	sadd.s32 @!p0 s3, s7;
	s7 =	simm.s32 @!p0 $0x108  }
0x21: {  	s3 =	sadd.s32 s3, s9;
	s6 =	sadd.s32 @!p0 $0x88, s6;
	s7 =	simm.s32 @p2 $0x1082  }
0x22: {  	[simem:s7], [sflag:s8] =	dma.local @!p0 [hbm:s6], $0xF7A  }
0x23: {  	s9 =	sor.u32 $0xD0000000, s2;
	s6 =	simm.s32 $0x108;
	_ =	swait.ge @!p0 [sflag:s8], $0x0  }
0x24: {  	s3 =	sadd.s32 $0x88, s3;
	s6 =	simm.s32 @!p1 $0x1082;
	[sflag:s4] =	ssyncset.s32 $0xFFFFF086  }
0x25: {  	[simem:s6], [sflag:s4] =	dma.local [hbm:s3], $0xF7A  }
0x26: {  	[smem:$0x3F96] =	sst s1;
	(tag) =	ssettag s2;
	_ =	strace s9  }
0x27: {  	s1 =	sld [smem:$0x3FA6]  }
0x28: {  	s2 =	sld [smem:$0x3FA7]  }
0x29: {  	s4 =	sld [smem:$0x3FA9]  }
0x2a: {  	p0 =	seq.s32 s5, $0x0;
	s5 =	sld [smem:$0x3FAA]  }
0x2b: {  	s6 =	sld [smem:$0x3FAB]  }
0x2c: {  	s7 =	sld [smem:$0x3FAC]  }
0x2d: {  	s3 =	simm.s32 $0x108;
	s8 =	sld [smem:$0x3FAD]  }
0x2e: {  	s3 =	simm.s32 @!p0 $0x1082;
	s9 =	sld [smem:$0x3FAE]  }
0x2f: {  	lr =	sadd.s32 s0, s3;
	s0 =	sld [smem:$0x3FA5]  }
0x30: {  	s3 =	sld [smem:$0x3FA8]  }
0x31: {  	[smem:$0x3FB1] =	sst s10  }
0x32: {  	s10 =	sld [smem:$0x3FAF];
	_ =	sdelay $0x3  }
0x33: {  	p0 =	seq.s32 s10, $0x1;
	s10 =	sld [smem:$0x3FB1];
	_ =	sdelay $0x3  }
0x34: {  	[smem:$0x3FB1] =	sst s10  }
0x35: {  	s10 =	sld [smem:$0x3FB0];
	_ =	sdelay $0x3  }
0x36: {  	p1 =	seq.s32 s10, $0x1;
	s10 =	sld [smem:$0x3FB1];
	_ =	sdelay $0x3  }
0x37: {  	[smem:$0x3FB1] =	sst s10  }
0x38: {  	s10 =	sld [smem:$0x3FB2]  }
0x39: {  	_ = 	snop;
	(pc) =	sbr.ind lr, $3  }
0x3a: {  	_ = 	snop  }
0x3b: {  	_ = 	snop  }
0x3c: {  	p2 =	seq.s32 s10, $0x1;
	s10 =	sld [smem:$0x3FB1]  }
0x3d: {  	_ =	shalt  }
0x3e: {  	_ =	shalt  }
0x3f: {  	_ =	shalt  }
0x40: {  	_ =	shalt  }
0x41: {  	_ =	shalt  }
0x42: {  	_ =	shalt  }
0x43: {  	_ =	shalt  }
0x44: {  	_ =	shalt  }
0x45: {  	_ =	shalt  }
0x46: {  	_ =	shalt  }
0x47: {  	_ =	shalt  }
0x48: {  	_ =	shalt  }
0x49: {  	_ =	shalt  }
0x4a: {  	_ =	shalt  }
0x4b: {  	_ =	shalt  }
0x4c: {  	_ =	shalt  }
0x4d: {  	_ =	shalt  }
0x4e: {  	_ =	shalt  }
0x4f: {  	_ =	shalt  }
0x50: {  	_ =	shalt  }
0x51: {  	_ =	shalt  }
0x52: {  	_ =	shalt  }
0x53: {  	_ =	shalt  }
0x54: {  	_ =	shalt  }
0x55: {  	_ =	shalt  }
0x56: {  	_ =	shalt  }
0x57: {  	_ =	shalt  }
0x58: {  	_ =	shalt  }
0x59: {  	_ =	shalt  }
0x5a: {  	_ =	shalt  }
0x5b: {  	_ =	shalt  }
0x5c: {  	_ =	shalt  }
0x5d: {  	_ =	shalt  }
0x5e: {  	_ =	shalt  }
0x5f: {  	_ =	shalt  }
0x60: {  	_ =	shalt  }
0x61: {  	_ =	shalt  }
0x62: {  	_ =	shalt  }
0x63: {  	_ =	shalt  }
0x64: {  	_ =	shalt  }
0x65: {  	_ =	shalt  }
0x66: {  	_ =	shalt  }
0x67: {  	_ =	shalt  }
0x68: {  	_ =	shalt  }
0x69: {  	_ =	shalt  }
0x6a: {  	_ =	shalt  }
0x6b: {  	_ =	shalt  }
0x6c: {  	_ =	shalt  }
0x6d: {  	_ =	shalt  }
0x6e: {  	_ =	shalt  }
0x6f: {  	_ =	shalt  }
0x70: {  	_ =	shalt  }
0x71: {  	_ =	shalt  }
0x72: {  	_ =	shalt  }
0x73: {  	_ =	shalt  }
0x74: {  	_ =	shalt  }
0x75: {  	_ =	shalt  }
0x76: {  	_ =	shalt  }
0x77: {  	_ =	shalt  }
0x78: {  	_ =	shalt  }
0x79: {  	_ =	shalt  }
0x7a: {  	_ =	shalt  }
0x7b: {  	_ =	shalt  }
0x7c: {  	_ =	shalt  }
0x7d: {  	_ =	shalt  }
0x7e: {  	_ =	shalt  }
0x7f: {  	_ =	shalt  }
0x80: {  	_ =	shalt  }
0x81: {  	_ =	shalt  }
0x82: {  	_ =	shalt  }
0x83: {  	_ =	shalt  }
0x84: {  	_ =	shalt  }
0x85: {  	_ =	shalt  }
0x86: {  	_ =	shalt  }
0x87: {  	_ =	shalt  }
.Lfunc_end0:
.L_simem_size_0:
called_computation.2_lowered:
.L_overlay_start_0:
0x88: {  	s2 =	sld [smem:$0x3FD9]  }
0x89: {  	s3 =	sld [smem:$0x3FFE];
	_ =	sdelay $0x1  }
0x8a: {  	s1 =	srdreg.scid  }
0x8b: {  	s0 =	sand.u32 $0x1, s1  }
0x8c: {  	s14 =	sshll.u32 s0, $0xA;
	s2 =	sadd.s32 s3, s2  }
0x8d: {  	s2 =	sadd.s32 s2, s14  }
0x8e: {  	[smem:$0x3FBD] =	sst s2  }
0x8f: {  	_ = 	snop  }
0x90: {  	s2 =	sld [smem:$0x3FD0];
	_ =	sdelay $0x2  }
0x91: {  	s15 =	simm.s32 $0xA;
	s4 =	simm.s32 $0x10  }
0x92: {  	[smem:s4], [sflag:s15] =	dma.local [hbm:s2], $0x1  }
0x93: {  	_ =	swait.eq [sflag:s15], $0x1  }
0x94: {  	[sflag:s15] =	ssyncset.done $0x0  }
0x95: {  	[sflag:s15] =	ssyncadd.s32 $0xFFFFFFFF  }
0x96: {  	s16 =	sld [smem:$0x10];
	(tm) =	ssettm $0x1  }
0x97: {  	s17 =	sld [smem:$0x3FFB];
	_ =	sdelay $0x3  }
0x98: {  	_ =	strace s17  }
0x99: {  	s3 =	sld [smem:$0x3FFC];
	_ =	sdelay $0x3  }
0x9a: {  	_ =	strace s3  }
0x9b: {  	s3 =	sld [smem:$0x3FFD];
	_ =	sdelay $0x3  }
0x9c: {  	_ =	strace s3  }
0x9d: {  	_ =	strace $0x8FFFFFFF  }
0x9e: {  	s18 =	sld [smem:$0x3FDB];
	_ =	sdelay $0x1  }
0x9f: {  	s19 =	simm.s32 $_scs_section_size  }
0xa0: {  	s5 =	simm.s32 $_size__tile_overlayer_lowered;
	s6 =	simm.s32 $_tile_overlayer_lowered  }
0xa1: {  	s22 =	simm.s32 $0x1BFF;
	s21 =	sshll.u32 s6, $0x1;
	s3 =	sadd.s32 s19, s18  }
0xa2: {  	s7 =	simm.s32 $0x0;
	s20 =	sshll.u32 s5, $0x1;
	s5 =	sadd.s32 s21, s3  }
0xa3: {  	[timem:s7], [sflag:s22] =	dma.local [hbm:s5], s20  }
0xa4: {  	_ =	swait.ge [sflag:s22], s20  }
0xa5: {  	s4 =	ssub.s32 $0x0, s20;
	[sflag:s22] =	ssyncset.done $0x0  }
0xa6: {  	[sflag:s22] =	ssyncadd.s32 s4;
	_ =	sdelay $0x1  }
0xa7: {  	s23 =	simm.s32 $0x1B8B  }
0xa8: {  	_ =	swait.ge [sflag:s23], $0x1  }
0xa9: {  	[sflag:s23] =	ssyncset.done $0x0  }
0xaa: {  	s25 =	simm.s32 $0x1B8E;
	s24 =	sld [smem:$0x3FFE];
	[sflag:s23] =	ssyncadd.s32 $0xFFFFFFFF  }
0xab: {  	s26 =	simm.s32 $execute0_lowered;
	[smem:$0x3FD2] =	sst s25  }
0xac: {  	s5 =	sshll.u32 s26, $0x1;
	_ =	strace $0x8000004C;
	[dreg:$0x1] =	wrdreg $0xFFFFFFFF  }
0xad: {  	s28 =	simm.s32 $_size_execute0_lowered;
	s3 =	sadd.s32 s3, s5;
	[dreg:$0x0] =	wrdreg $0x0  }
0xae: {  	s5 =	sshll.u32 s28, $0x1;
	[dreg:$0x2] =	wrdreg s3  }
0xaf: {  	[dreg:$0x3] =	wrdreg s5  }
0xb0: {  	[dreg:$0x4] =	wrdreg $0xC0  }
0xb1: {  	_ =	task [dreg:s7], $0x5FFFF  }
0xb2: {  	[dreg:$0x1] =	wrdreg $0xFFFFFFFF  }
0xb3: {  	[dreg:$0x0] =	wrdreg $0x60  }
0xb4: {  	[dreg:$0x2] =	wrdreg s24  }
0xb5: {  	[dreg:$0x3] =	wrdreg s16  }
0xb6: {  	[dreg:$0x4] =	wrdreg $0xAD000  }
0xb7: {  	[dreg:$0x5] =	wrdreg $0x9  }
0xb8: {  	_ =	task.clear_ibuf [dreg:s7], $0x6FFFF;
	_ =	strace $0x9000004C  }
0xb9: {  	s29 =	simm.s32 $0x9;
	_ =	strace $0x8000004E  }
0xba: {  	_ =	swait.ge [sflag:s29], $0x1  }
0xbb: {  	[sflag:s29] =	ssyncadd.s32 $0xFFFFFFFF  }
0xbc: {  	_ =	strace $0x9000004E  }
0xbd: {  	_ =	sfence  }
0xbe: {  	s30 =	sld [smem:$0x0];
	_ =	sdelay $0x2  }
0xbf: {  	s31 =	sshll.u32 s1, $0xD;
	s1 =	sshrl.u32 s1, $0x2  }
0xc0: {  	s3 =	sand.u32 $0x4000, s31;
	s1 =	sadd.s32 s1, s30  }
0xc1: {  	s0 =	sor.u32 s3, s0;
	s1 =	sshll.u32 s1, $0x11  }
0xc2: {  	s0 =	sor.u32 s1, s0  }
0xc3: {  	s0 =	sadd.s32 $0x8F2B, s0  }
0xc4: {  	[sflag:s0] =	ssyncadd.remote.s32 $0x1  }
0xc5: {  	_ =	sfence.sel $0xFFFF  }
0xc6: {  	[dreg:$0x0] =	wrdreg $0xFFFFFFFF;
	(pc) =	sbr.abs _section_cstart, $3  }
0xc7: {  	[dreg:$0x1] =	wrdreg $0xFFFFFFFF  }
0xc8: {  	_ =	task.clear_ibuf [dreg:s7], $0x2FFFF;
	_ =	strace $0x9FFFFFFF  }
0xc9: {  	(tm) =	ssettm $0x7FFFFFFF  }
tec
execute0_lowered:
.L_overlay_start_1:
0x0: {  	(tag) =	ssettag $0x1  }
0x1: {  	s8 =	rddreg [dreg:$0x0]  }
0x2: {  	s1 =	srdreg.scid;
	s2 =	rddreg [dreg:$0x1]  }
0x3: {  	s0 =	stileid.u32;
	s3 =	rddreg [dreg:$0x2]  }
0x4: {  	s5 =	simm.s32 $0x0;
	s17 =	simm.s32 $0x2D00;
	s18 =	simm.s32 $0x6D00  }
0x5: {  	s19 =	simm.s32 $0x2C00;
	s20 =	simm.s32 $0x2C80;
	s21 =	simm.s32 $0x1  }
0x6: {  	s22 =	simm.s32 $0x3;
	s23 =	simm.s32 $0x2;
	s24 =	simm.s32 $0x4  }
0x7: {  	s25 =	simm.s32 $0x0;
	s7 =	sand.u32 $0x1, s1;
	s28 =	sshll.u32 s0, $0x1  }
0x8: {  	[smem:$0x7FF] =	sst s5;
	s10 =	smul.u32 $0x13C00, s0;
	s6 =	sadd.s32 $0x6200, s8  }
0x9: {  	s14 =	smul.u32 $0x4F000, s0;
	s31 =	sshll.u32 s0, $0x6;
	s1 =	sor.u32 s7, s28  }
0xa: {  	s9 =	smul.u32 $0x13C000, s7;
	s29 =	ssub.s32 $0x2, s7;
	s7 =	sadd.s32 $0x3A00, s8  }
0xb: {  	s4 =	smul.u32 $0x2C00, s1;
	s1 =	rddreg [dreg:$0x3];
	_ =	strace $0x8000004D  }
0xc: {  	s13 =	sshrl.u32 s29, $0x1;
	s30 =	sshrl.u32 s14, $0x2;
	s14 =	sor.u32 $0x1C05, s31  }
0xd: {  	s9 =	sadd.s32 s10, s9;
	s13 =	ssub.s32 s29, s13;
	s11 =	sshrl.u32 s4, $0x3  }
0xe: {  	s16 =	sadd.s32 s30, s3;
	s9 =	sshrl.u32 s9, $0x3;
	s12 =	sadd.s32 s11, s8  }
0xf: {  	s15 =	sadd.s32 s9, s8;
	s9 =	sadd.s32 s2, s11;
	s8 =	sadd.s32 $0x55200, s12  }
0x10: {  	s10 =	sadd.s32 $0x10, s9;
	s11 =	sadd.s32 $0x60200, s15;
	s12 =	smax.u32 s13, $0x1  }
0x11: {  	s13 =	simm.s32 $0x5;
	s15 =	sshrl.u32 s16, $0x3;
	s16 =	simm.s32 $0x80  }
.LBB2_1:
0x12: {  	[tilespmem:s5], [sflag:$0x5] =	stream.linear.gather [hbm4b:s8+s5], $0x2900, $0x38;
	[tilespmem:$0x1E900] =	vst v63  }
0x13: {  	_ =	swait.ge [sflag:s13], $0x2900  }
0x14: {  	[sflag:s13] =	ssyncset.done $0x0  }
0x15: {  	[sflag:s13] =	ssyncadd.s32 $0xFFFFD700  }
0x16: {  	[spmem:s15], [sflag:s14] =	dma.local [hbm:s7], $0x2780  }
0x17: {  	_ =	swait.ge [sflag:s13], $0x2780  }
0x18: {  	[sflag:s13] =	ssyncset.done $0x0  }
0x19: {  	[sflag:s13] =	ssyncadd.s32 $0xFFFFD880  }
0x1a: {  	[bflag:$0x0] =	sbarrier.arrive $0xFFFF  }
0x1b: {  	[tilespmem:s17], [sflag:$0x1] =	stream.indirect.gather [hbm4b:s6+s16], $0x80, s5, s16, $0xb8;
	[tilespmem:$0x1E900] =	vst v63  }
0x1c: {  	_ = 	snop  }
0x1d: {  	[tilespmem:s18], [sflag:$0x2] =	stream.indirect.gather [hbm4b:s6+s16], $0x80, s16, s16, $0xb8;
	[tilespmem:$0x1E900] =	vst v63  }
0x1e: {  	_ = 	snop  }
0x1f: {  	[tilespmem:s19], [sflag:$0x3] =	stream.linear.gather [hbm4b:s9+s5], $0x80, $0x38;
	[tilespmem:$0x1E900] =	vst v63  }
0x20: {  	_ = 	snop  }
0x21: {  	[tilespmem:s20], [sflag:$0x4] =	stream.linear.gather [hbm4b:s10+s5], $0x80, $0x38;
	[tilespmem:$0x1E900] =	vst v63  }
0x22: {  	_ =	swait.ge [sflag:s21], $0x4000  }
0x23: {  	[sflag:s21] =	ssyncset.done $0x0  }
0x24: {  	[sflag:s21] =	ssyncadd.s32 $0xFFFFC000  }
0x25: {  	_ =	swait.ge [sflag:s22], $0x80  }
0x26: {  	s26 =	simm.s32 $0x100;
	[sflag:s22] =	ssyncset.done $0x0  }
0x27: {  	s28 =	sand.u32 $0x7C00, s26;
	[sflag:s22] =	ssyncadd.s32 $0xFFFFFF80  }
0x28: {  	[spmem:s3] =	stream.indirect.scatter.add.f32 [tilespmem:s17], [sflag:$0x5], $0x80, s19, s16, $0xb8;
	[tilespmem:$0x1E900] =	vst v63  }
0x29: {  	s29 =	sand.u32 $0x300, s26;
	s28 =	sadd.s32 s4, s28;
	_ =	swait.ge [sflag:s13], $0x4000  }
0x2a: {  	s28 =	sor.u32 s29, s28;
	[sflag:s13] =	ssyncset.done $0x0  }
0x2b: {  	s26 =	simm.s32 $0x100;
	s28 =	sshrl.u32 s28, $0x3;
	[sflag:s13] =	ssyncadd.s32 $0xFFFFC000  }
0x2c: {  	[tilespmem:s17], [sflag:$0x1] =	stream.indirect.gather [hbm4b:s6+s16], $0x80, s26, s16, $0xb8;
	[tilespmem:$0x1E900] =	vst v63  }
0x2d: {  	s28 =	sadd.s32 s2, s28  }
0x2e: {  	[tilespmem:s19], [sflag:$0x3] =	stream.linear.gather [hbm4b:s28+s5], $0x80, $0x38;
	[tilespmem:$0x1E900] =	vst v63  }
0x2f: {  	_ =	swait.ge [sflag:s23], $0x4000  }
0x30: {  	[sflag:s23] =	ssyncset.done $0x0  }
0x31: {  	[sflag:s23] =	ssyncadd.s32 $0xFFFFC000  }
0x32: {  	_ =	swait.ge [sflag:s24], $0x80  }
0x33: {  	s28 =	simm.s32 $0x180;
	[sflag:s24] =	ssyncset.done $0x0  }
0x34: {  	s29 =	sand.u32 $0x7C00, s28;
	[sflag:s24] =	ssyncadd.s32 $0xFFFFFF80  }
0x35: {  	[spmem:s3] =	stream.indirect.scatter.add.f32 [tilespmem:s18], [sflag:$0x5], $0x80, s20, s16, $0xb8;
	[tilespmem:$0x1E900] =	vst v63  }
0x36: {  	s28 =	sand.u32 $0x380, s28;
	s29 =	sadd.s32 s4, s29;
	_ =	swait.ge [sflag:s13], $0x4000  }
0x37: {  	s30 =	simm.s32 $0x180;
	s29 =	sor.u32 s28, s29;
	[sflag:s13] =	ssyncset.done $0x0  }
0x38: {  	s28 =	simm.s32 $0x280;
	s29 =	sshrl.u32 s29, $0x3;
	[sflag:s13] =	ssyncadd.s32 $0xFFFFC000  }
0x39: {  	[tilespmem:s18], [sflag:$0x2] =	stream.indirect.gather [hbm4b:s6+s16], $0x80, s30, s16, $0xb8;
	[tilespmem:$0x1E900] =	vst v63  }
.LBB2_2:
0x3a: {  	p0 =	sne.s32 s28, $0x2880;
	s29 =	sadd.s32 s2, s29;
	s26 =	sadd.s32 $0x100, s26  }
0x3b: {  	[tilespmem:s20], [sflag:$0x4] =	stream.linear.gather [hbm4b:s29+s5], $0x80, $0x38;
	[tilespmem:$0x1E900] =	vst v63  }
0x3c: {  	s29 =	smov.u32 s28;
	s28 =	sadd.s32 $0x100, s28;
	_ =	swait.ge [sflag:s21], $0x4000  }
0x3d: {  	[sflag:s21] =	ssyncset.done $0x0  }
0x3e: {  	[sflag:s21] =	ssyncadd.s32 $0xFFFFC000  }
0x3f: {  	_ =	swait.ge [sflag:s22], $0x80  }
0x40: {  	[sflag:s22] =	ssyncset.done $0x0  }
0x41: {  	s30 =	sadd.s32 $0xFFFFFF80, s29;
	[sflag:s22] =	ssyncadd.s32 $0xFFFFFF80  }
0x42: {  	[spmem:s3] =	stream.indirect.scatter.add.f32 [tilespmem:s17], [sflag:$0x5], $0x80, s19, s16, $0xb8;
	[tilespmem:$0x1E900] =	vst v63  }
0x43: {  	s31 =	sand.u32 $0x7C00, s30;
	_ =	swait.ge [sflag:s13], $0x4000  }
0x44: {  	s30 =	sand.u32 $0x300, s30;
	s31 =	sadd.s32 s4, s31;
	[sflag:s13] =	ssyncset.done $0x0  }
0x45: {  	s30 =	sor.u32 s30, s31;
	[sflag:s13] =	ssyncadd.s32 $0xFFFFC000  }
0x46: {  	[tilespmem:s17], [sflag:$0x1] =	stream.indirect.gather [hbm4b:s6+s16], $0x80, s26, s16, $0xb8;
	[tilespmem:$0x1E900] =	vst v63  }
0x47: {  	s30 =	sshrl.u32 s30, $0x3  }
0x48: {  	s30 =	sadd.s32 s2, s30  }
0x49: {  	[tilespmem:s19], [sflag:$0x3] =	stream.linear.gather [hbm4b:s30+s5], $0x80, $0x38;
	[tilespmem:$0x1E900] =	vst v63  }
0x4a: {  	_ =	swait.ge [sflag:s23], $0x4000  }
0x4b: {  	[sflag:s23] =	ssyncset.done $0x0  }
0x4c: {  	[sflag:s23] =	ssyncadd.s32 $0xFFFFC000  }
0x4d: {  	_ =	swait.ge [sflag:s24], $0x80  }
0x4e: {  	[sflag:s24] =	ssyncset.done $0x0  }
0x4f: {  	s30 =	sand.u32 $0x7C00, s29;
	[sflag:s24] =	ssyncadd.s32 $0xFFFFFF80  }
0x50: {  	[spmem:s3] =	stream.indirect.scatter.add.f32 [tilespmem:s18], [sflag:$0x5], $0x80, s20, s16, $0xb8;
	[tilespmem:$0x1E900] =	vst v63  }
.Ltmp0:
0x51: {  	_ = 	snop;
	(pc) =	sbr.rel @p0 .LBB2_2-.Ltmp0, $4  }
0x52: {  	s29 =	sand.u32 $0x380, s29;
	s30 =	sadd.s32 s4, s30;
	_ =	swait.ge [sflag:s13], $0x4000  }
0x53: {  	s29 =	sor.u32 s29, s30;
	[sflag:s13] =	ssyncset.done $0x0  }
0x54: {  	s30 =	sadd.s32 $0x80, s26;
	s29 =	sshrl.u32 s29, $0x3;
	[sflag:s13] =	ssyncadd.s32 $0xFFFFC000  }
0x55: {  	[tilespmem:s18], [sflag:$0x2] =	stream.indirect.gather [hbm4b:s6+s16], $0x80, s30, s16, $0xb8;
	[tilespmem:$0x1E900] =	vst v63  }
0x56: {  	s26 =	sadd.s32 s2, s29  }
0x57: {  	[tilespmem:s20], [sflag:$0x4] =	stream.linear.gather [hbm4b:s26+s5], $0x80, $0x38;
	[tilespmem:$0x1E900] =	vst v63  }
0x58: {  	_ =	swait.ge [sflag:s21], $0x4000  }
0x59: {  	[sflag:s21] =	ssyncset.done $0x0  }
0x5a: {  	[sflag:s21] =	ssyncadd.s32 $0xFFFFC000  }
0x5b: {  	_ =	swait.ge [sflag:s23], $0x4000  }
0x5c: {  	[sflag:s23] =	ssyncset.done $0x0  }
0x5d: {  	[sflag:s23] =	ssyncadd.s32 $0xFFFFC000  }
0x5e: {  	_ =	swait.ge [sflag:s22], $0x80  }
0x5f: {  	[sflag:s22] =	ssyncset.done $0x0  }
0x60: {  	[sflag:s22] =	ssyncadd.s32 $0xFFFFFF80  }
0x61: {  	_ =	swait.ge [sflag:s24], $0x80  }
0x62: {  	s25 =	sadd.s32 $0x1, s25;
	[sflag:s24] =	ssyncset.done $0x0  }
0x63: {  	p0 =	sne.s32 s25, s12;
	[sflag:s24] =	ssyncadd.s32 $0xFFFFFF80  }
.Ltmp1:
0x64: {  	[bflag:$0x0] =	sbarrier.arrive $0xFFFF;
	(pc) =	sbr.rel @p0 .LBB2_1-.Ltmp1, $4  }
0x65: {  	[hbm:s11], [sflag:s14] =	dma.local [spmem:s15], $0x2780  }
0x66: {  	_ =	swait.ge [sflag:s13], $0x2780  }
0x67: {  	[sflag:s13] =	ssyncset.done $0x0  }
0x68: {  	[sflag:s13] =	ssyncadd.s32 $0xFFFFD880  }
0x69: {  	_ =	sfence.sel $0x180000  }
0x6a: {  	[bflag:$0x0] =	sbarrier.arrive $0xFFFF  }
0x6b: {  	p0 =	sne.s32 s0, $0x0;
	_ =	strace $0x9000004D  }
0x6c: {  	s0 =	sadd.s32 @!p0 $0x100000, s1;
	[bflag:$0x2] =	sbarrier.arrive $0xFFFF  }
0x6d: {  	[sflag:s0] =	ssyncadd.tile.s32 @!p0 $0x1;
	_ =	shalt  }
.Lfunc_end2:
_tile_overlayer_lowered:
.L_overlay_start_2:
0x6e: {  	(tag) =	ssettag $0x2  }
0x6f: {  	s0 =	rddreg [dreg:$0x0];
	s2 =	stileid.u32  }
0x70: {  	s1 =	rddreg [dreg:$0x1];
	p0 =	sne.s32 s2, $0x0  }
0x71: {  	s3 =	rddreg [dreg:$0x2];
	[bflag:$0x3] =	sbarrier.arrive $0xFFFF;
	s2 =	simm.s32 @!p0 $0x1C05  }
0x72: {  	[timem:s3], [sflag:s2] =	dma.local @!p0 [hbm:s0], s1  }
0x73: {  	s0 =	simm.s32 @!p0 $0x5  }
0x74: {  	_ =	swait.ge @!p0 [sflag:s0], s1  }
0x75: {  	s1 =	ssub.s32 @!p0 $0x0, s1;
	[sflag:s0] =	ssyncset.done @!p0 $0x0  }
0x76: {  	[sflag:s0] =	ssyncadd.s32 @!p0 s1  }
0x77: {  	[bflag:$0x3] =	sbarrier.arrive $0xFFFF  }
0x78: {  	_ =	shalt  }

// kernel: kernel.9.cloned.1.call-start
scs
__scs_entry_jumppad:
0x0: {  	(pc) =	sbr.rel $0x88, $3  }
0x1: {  	(tag) =	ssettag $0x0;
	lr =	simm.s32 $0x1  }
0x2: {  	[smem:$0x3F96] =	sst lr;
	_ =	strace $0xD0000000  }
0x3: {  	_ = 	snop  }
0x4: {  	_ = 	snop  }
0x5: {  	_ = 	snop  }
0x6: {  	_ = 	snop  }
0x7: {  	_ = 	snop  }
__scs_overlays_trampoline_lowered:
0x8: {  	[smem:$0x3FA5] =	sst s0  }
0x9: {  	[smem:$0x3FA6] =	sst s1  }
0xa: {  	[smem:$0x3FA7] =	sst s2  }
0xb: {  	[smem:$0x3FA8] =	sst s3  }
0xc: {  	[smem:$0x3FA9] =	sst s4  }
0xd: {  	[smem:$0x3FAA] =	sst s5  }
0xe: {  	[smem:$0x3FAB] =	sst s6  }
0xf: {  	[smem:$0x3FAC] =	sst s7  }
0x10: {  	[smem:$0x3FAD] =	sst s8  }
0x11: {  	[smem:$0x3FAE] =	sst s9;
	s0 =	simm.s32 @!p0 $0x0  }
0x12: {  	s1 =	sld [smem:$0x3F94];
	s0 =	simm.s32 @p0 $0x1  }
0x13: {  	[smem:$0x3FAF] =	sst s0;
	s0 =	simm.s32 @!p1 $0x0  }
0x14: {  	s2 =	sld [smem:$0x3F93];
	s0 =	simm.s32 @p1 $0x1  }
0x15: {  	[smem:$0x3FB0] =	sst s0;
	s0 =	simm.s32 @!p2 $0x0  }
0x16: {  	s3 =	sld [smem:$0x3FDB];
	s0 =	simm.s32 @p2 $0x1  }
0x17: {  	s4 =	simm.s32 $0x1BF5;
	[smem:$0x3FB2] =	sst s0  }
0x18: {  	s0 =	sld [smem:$0x3F95];
	_ =	swait.ge [sflag:s4], $0x0  }
0x19: {  	s7 =	sld [smem:$0x3F96]  }
0x1a: {  	s8 =	sadd.s32 $0xFFFFE003, lr  }
0x1b: {  	s9 =	sadd.s32 $0xFFFFFEF7, lr;
	s5 =	simm.s32 $0xFFFFFFFF;
	p2 =	slt.u32 s8, $0xFFFFF086  }
0x1c: {  	p1 =	slt.u32 s9, $0xF7A;
	s5 =	simm.s32 @!p2 $0x0  }
0x1d: {  	s5 =	simm.s32 @p1 $0x1;
	p0 =	seq.s32 s7, s2  }
0x1e: {  	s7 =	smul.u32 @!p0 $0xF7A, s2;
	p2 =	seq.s32 @!p0 s5, $0x0  }
0x1f: {  	s9 =	smul.u32 $0xF7A, s1;
	s8 =	simm.s32 @!p0 $0x1BF5;
	p2 =	por !p2, p0  }
0x20: {  	[sflag:s8] =	ssyncset.s32 @!p0 $0xFFFFF086;
	s6 =	sadd.s32 @!p0 s3, s7;
	s7 =	simm.s32 @!p0 $0x108  }
0x21: {  	s3 =	sadd.s32 s3, s9;
	s6 =	sadd.s32 @!p0 $0x88, s6;
	s7 =	simm.s32 @p2 $0x1082  }
0x22: {  	[simem:s7], [sflag:s8] =	dma.local @!p0 [hbm:s6], $0xF7A  }
0x23: {  	s9 =	sor.u32 $0xD0000000, s2;
	s6 =	simm.s32 $0x108;
	_ =	swait.ge @!p0 [sflag:s8], $0x0  }
0x24: {  	s3 =	sadd.s32 $0x88, s3;
	s6 =	simm.s32 @!p1 $0x1082;
	[sflag:s4] =	ssyncset.s32 $0xFFFFF086  }
0x25: {  	[simem:s6], [sflag:s4] =	dma.local [hbm:s3], $0xF7A  }
0x26: {  	[smem:$0x3F96] =	sst s1;
	(tag) =	ssettag s2;
	_ =	strace s9  }
0x27: {  	s1 =	sld [smem:$0x3FA6]  }
0x28: {  	s2 =	sld [smem:$0x3FA7]  }
0x29: {  	s4 =	sld [smem:$0x3FA9]  }
0x2a: {  	p0 =	seq.s32 s5, $0x0;
	s5 =	sld [smem:$0x3FAA]  }
0x2b: {  	s6 =	sld [smem:$0x3FAB]  }
0x2c: {  	s7 =	sld [smem:$0x3FAC]  }
0x2d: {  	s3 =	simm.s32 $0x108;
	s8 =	sld [smem:$0x3FAD]  }
0x2e: {  	s3 =	simm.s32 @!p0 $0x1082;
	s9 =	sld [smem:$0x3FAE]  }
0x2f: {  	lr =	sadd.s32 s0, s3;
	s0 =	sld [smem:$0x3FA5]  }
0x30: {  	s3 =	sld [smem:$0x3FA8]  }
0x31: {  	[smem:$0x3FB1] =	sst s10  }
0x32: {  	s10 =	sld [smem:$0x3FAF];
	_ =	sdelay $0x3  }
0x33: {  	p0 =	seq.s32 s10, $0x1;
	s10 =	sld [smem:$0x3FB1];
	_ =	sdelay $0x3  }
0x34: {  	[smem:$0x3FB1] =	sst s10  }
0x35: {  	s10 =	sld [smem:$0x3FB0];
	_ =	sdelay $0x3  }
0x36: {  	p1 =	seq.s32 s10, $0x1;
	s10 =	sld [smem:$0x3FB1];
	_ =	sdelay $0x3  }
0x37: {  	[smem:$0x3FB1] =	sst s10  }
0x38: {  	s10 =	sld [smem:$0x3FB2]  }
0x39: {  	_ = 	snop;
	(pc) =	sbr.ind lr, $3  }
0x3a: {  	_ = 	snop  }
0x3b: {  	_ = 	snop  }
0x3c: {  	p2 =	seq.s32 s10, $0x1;
	s10 =	sld [smem:$0x3FB1]  }
0x3d: {  	_ =	shalt  }
0x3e: {  	_ =	shalt  }
0x3f: {  	_ =	shalt  }
0x40: {  	_ =	shalt  }
0x41: {  	_ =	shalt  }
0x42: {  	_ =	shalt  }
0x43: {  	_ =	shalt  }
0x44: {  	_ =	shalt  }
0x45: {  	_ =	shalt  }
0x46: {  	_ =	shalt  }
0x47: {  	_ =	shalt  }
0x48: {  	_ =	shalt  }
0x49: {  	_ =	shalt  }
0x4a: {  	_ =	shalt  }
0x4b: {  	_ =	shalt  }
0x4c: {  	_ =	shalt  }
0x4d: {  	_ =	shalt  }
0x4e: {  	_ =	shalt  }
0x4f: {  	_ =	shalt  }
0x50: {  	_ =	shalt  }
0x51: {  	_ =	shalt  }
0x52: {  	_ =	shalt  }
0x53: {  	_ =	shalt  }
0x54: {  	_ =	shalt  }
0x55: {  	_ =	shalt  }
0x56: {  	_ =	shalt  }
0x57: {  	_ =	shalt  }
0x58: {  	_ =	shalt  }
0x59: {  	_ =	shalt  }
0x5a: {  	_ =	shalt  }
0x5b: {  	_ =	shalt  }
0x5c: {  	_ =	shalt  }
0x5d: {  	_ =	shalt  }
0x5e: {  	_ =	shalt  }
0x5f: {  	_ =	shalt  }
0x60: {  	_ =	shalt  }
0x61: {  	_ =	shalt  }
0x62: {  	_ =	shalt  }
0x63: {  	_ =	shalt  }
0x64: {  	_ =	shalt  }
0x65: {  	_ =	shalt  }
0x66: {  	_ =	shalt  }
0x67: {  	_ =	shalt  }
0x68: {  	_ =	shalt  }
0x69: {  	_ =	shalt  }
0x6a: {  	_ =	shalt  }
0x6b: {  	_ =	shalt  }
0x6c: {  	_ =	shalt  }
0x6d: {  	_ =	shalt  }
0x6e: {  	_ =	shalt  }
0x6f: {  	_ =	shalt  }
0x70: {  	_ =	shalt  }
0x71: {  	_ =	shalt  }
0x72: {  	_ =	shalt  }
0x73: {  	_ =	shalt  }
0x74: {  	_ =	shalt  }
0x75: {  	_ =	shalt  }
0x76: {  	_ =	shalt  }
0x77: {  	_ =	shalt  }
0x78: {  	_ =	shalt  }
0x79: {  	_ =	shalt  }
0x7a: {  	_ =	shalt  }
0x7b: {  	_ =	shalt  }
0x7c: {  	_ =	shalt  }
0x7d: {  	_ =	shalt  }
0x7e: {  	_ =	shalt  }
0x7f: {  	_ =	shalt  }
0x80: {  	_ =	shalt  }
0x81: {  	_ =	shalt  }
0x82: {  	_ =	shalt  }
0x83: {  	_ =	shalt  }
0x84: {  	_ =	shalt  }
0x85: {  	_ =	shalt  }
0x86: {  	_ =	shalt  }
0x87: {  	_ =	shalt  }
.Lfunc_end0:
.L_simem_size_0:
called_computation_lowered:
.L_overlay_start_0:
0x88: {  	s2 =	sld [smem:$0x3FD9]  }
0x89: {  	s3 =	sld [smem:$0x3FFE];
	_ =	sdelay $0x1  }
0x8a: {  	s1 =	srdreg.scid  }
0x8b: {  	s0 =	sand.u32 $0x1, s1  }
0x8c: {  	s14 =	sshll.u32 s0, $0xA;
	s2 =	sadd.s32 s3, s2  }
0x8d: {  	s2 =	sadd.s32 s2, s14  }
0x8e: {  	[smem:$0x3FBD] =	sst s2  }
0x8f: {  	_ = 	snop  }
0x90: {  	s2 =	sld [smem:$0x3FD0];
	_ =	sdelay $0x2  }
0x91: {  	s15 =	simm.s32 $0xA;
	s4 =	simm.s32 $0x10  }
0x92: {  	[smem:s4], [sflag:s15] =	dma.local [hbm:s2], $0x1  }
0x93: {  	_ =	swait.eq [sflag:s15], $0x1  }
0x94: {  	[sflag:s15] =	ssyncset.done $0x0  }
0x95: {  	[sflag:s15] =	ssyncadd.s32 $0xFFFFFFFF  }
0x96: {  	s16 =	sld [smem:$0x10];
	(tm) =	ssettm $0x1  }
0x97: {  	s17 =	sld [smem:$0x3FFB];
	_ =	sdelay $0x3  }
0x98: {  	_ =	strace s17  }
0x99: {  	s3 =	sld [smem:$0x3FFC];
	_ =	sdelay $0x3  }
0x9a: {  	_ =	strace s3  }
0x9b: {  	s3 =	sld [smem:$0x3FFD];
	_ =	sdelay $0x3  }
0x9c: {  	_ =	strace s3  }
0x9d: {  	_ =	strace $0x8FFFFFFF  }
0x9e: {  	s18 =	sld [smem:$0x3FDB];
	_ =	sdelay $0x1  }
0x9f: {  	s19 =	simm.s32 $_scs_section_size  }
0xa0: {  	s5 =	simm.s32 $_size__tile_overlayer_lowered;
	s6 =	simm.s32 $_tile_overlayer_lowered  }
0xa1: {  	s22 =	simm.s32 $0x1BFF;
	s21 =	sshll.u32 s6, $0x1;
	s3 =	sadd.s32 s19, s18  }
0xa2: {  	s7 =	simm.s32 $0x0;
	s20 =	sshll.u32 s5, $0x1;
	s5 =	sadd.s32 s21, s3  }
0xa3: {  	[timem:s7], [sflag:s22] =	dma.local [hbm:s5], s20  }
0xa4: {  	_ =	swait.ge [sflag:s22], s20  }
0xa5: {  	s4 =	ssub.s32 $0x0, s20;
	[sflag:s22] =	ssyncset.done $0x0  }
0xa6: {  	[sflag:s22] =	ssyncadd.s32 s4;
	_ =	sdelay $0x1  }
0xa7: {  	s23 =	simm.s32 $0x1B8B  }
0xa8: {  	_ =	swait.ge [sflag:s23], $0x1  }
0xa9: {  	[sflag:s23] =	ssyncset.done $0x0  }
0xaa: {  	s25 =	simm.s32 $0x1B8E;
	s24 =	sld [smem:$0x3FFE];
	[sflag:s23] =	ssyncadd.s32 $0xFFFFFFFF  }
0xab: {  	s26 =	simm.s32 $execute0_lowered;
	[smem:$0x3FD2] =	sst s25  }
0xac: {  	s5 =	sshll.u32 s26, $0x1;
	_ =	strace $0x80000046;
	[dreg:$0x1] =	wrdreg $0xFFFFFFFF  }
0xad: {  	s28 =	simm.s32 $_size_execute0_lowered;
	s3 =	sadd.s32 s3, s5;
	[dreg:$0x0] =	wrdreg $0x0  }
0xae: {  	s5 =	sshll.u32 s28, $0x1;
	[dreg:$0x2] =	wrdreg s3  }
0xaf: {  	[dreg:$0x3] =	wrdreg s5  }
0xb0: {  	[dreg:$0x4] =	wrdreg $0xC0  }
0xb1: {  	_ =	task [dreg:s7], $0x5FFFF  }
0xb2: {  	[dreg:$0x1] =	wrdreg $0xFFFFFFFF  }
0xb3: {  	[dreg:$0x0] =	wrdreg $0x60  }
0xb4: {  	[dreg:$0x2] =	wrdreg s16  }
0xb5: {  	[dreg:$0x3] =	wrdreg s24  }
0xb6: {  	[dreg:$0x4] =	wrdreg $0x40800  }
0xb7: {  	[dreg:$0x5] =	wrdreg $0x9  }
0xb8: {  	_ =	task.clear_ibuf [dreg:s7], $0x6FFFF;
	_ =	strace $0x90000046  }
0xb9: {  	s29 =	simm.s32 $0x9;
	_ =	strace $0x80000048  }
0xba: {  	_ =	swait.ge [sflag:s29], $0x1  }
0xbb: {  	[sflag:s29] =	ssyncadd.s32 $0xFFFFFFFF  }
0xbc: {  	_ =	strace $0x90000048  }
0xbd: {  	_ =	sfence  }
0xbe: {  	s30 =	sld [smem:$0x0];
	_ =	sdelay $0x2  }
0xbf: {  	s31 =	sshll.u32 s1, $0xD;
	s1 =	sshrl.u32 s1, $0x2  }
0xc0: {  	s3 =	sand.u32 $0x4000, s31;
	s1 =	sadd.s32 s1, s30  }
0xc1: {  	s0 =	sor.u32 s3, s0;
	s1 =	sshll.u32 s1, $0x11  }
0xc2: {  	s0 =	sor.u32 s1, s0  }
0xc3: {  	s0 =	sadd.s32 $0x8F2B, s0  }
0xc4: {  	[sflag:s0] =	ssyncadd.remote.s32 $0x1  }
0xc5: {  	_ =	sfence.sel $0xFFFF  }
0xc6: {  	[dreg:$0x0] =	wrdreg $0xFFFFFFFF;
	(pc) =	sbr.abs _section_cstart, $3  }
0xc7: {  	[dreg:$0x1] =	wrdreg $0xFFFFFFFF  }
0xc8: {  	_ =	task.clear_ibuf [dreg:s7], $0x2FFFF;
	_ =	strace $0x9FFFFFFF  }
0xc9: {  	(tm) =	ssettm $0x7FFFFFFF  }
tec
execute0_lowered:
.L_overlay_start_1:
0x0: {  	(tag) =	ssettag $0x1  }
0x1: {  	s0 =	rddreg [dreg:$0x0]  }
0x2: {  	s7 =	rddreg [dreg:$0x1]  }
0x3: {  	s1 =	srdreg.scid;
	s3 =	rddreg [dreg:$0x2]  }
0x4: {  	s2 =	stileid.u32;
	s4 =	simm.s32 $0x0;
	s14 =	simm.s32 $0x0  }
0x5: {  	s8 =	sand.u32 $0x1, s1;
	s1 =	rddreg [dreg:$0x3];
	s6 =	smul.u32 $0x13C00, s2  }
0x6: {  	[smem:$0x7FF] =	sst s4;
	s10 =	smul.u32 $0x4F000, s2;
	s12 =	sshll.u32 s2, $0x1  }
0x7: {  	s31 =	sshll.u32 s2, $0x6;
	s5 =	smul.u32 $0x13C000, s8;
	_ =	strace $0x80000047  }
0x8: {  	s29 =	ssub.s32 $0x2, s8;
	s30 =	sor.u32 s8, s12;
	s12 =	sor.u32 $0x1C01, s31  }
0x9: {  	s11 =	sshrl.u32 s29, $0x1;
	s10 =	sshrl.u32 s10, $0x2;
	s6 =	sadd.s32 s6, s5  }
0xa: {  	s5 =	sadd.s32 $0x3200, s7;
	s11 =	ssub.s32 s29, s11;
	s13 =	sadd.s32 s10, s3  }
0xb: {  	s10 =	simm.s32 $0x80;
	s9 =	sshrl.u32 s6, $0x3;
	s6 =	sadd.s32 $0x3A00, s7  }
0xc: {  	s13 =	sshrl.u32 s13, $0x3;
	s9 =	sadd.s32 s9, s7;
	s7 =	smul.u32 $0x2C00, s30  }
0xd: {  	s8 =	sadd.s32 $0x6200, s9;
	s9 =	smax.u32 s11, $0x1;
	s11 =	simm.s32 $0x1  }
.LBB2_1:
0xe: {  	[tilespmem:s10], [sflag:$0x1] =	stream.linear.gather [hbm4b:s5+s4], $0x4000, $0x38;
	[tilespmem:$0x17C80] =	vst v63  }
0xf: {  	_ =	swait.ge [sflag:s11], $0x4000  }
0x10: {  	[sflag:s11] =	ssyncset.done $0x0  }
0x11: {  	s15 =	sand.u32 $0x3C00, s4;
	[sflag:s11] =	ssyncadd.s32 $0xFFFFC000  }
0x12: {  	[spmem:s13], [sflag:s12] =	dma.local [hbm:s6], $0x2780  }
0x13: {  	s16 =	sand.u32 $0x380, s4;
	s15 =	sadd.s32 s7, s15;
	_ =	swait.ge [sflag:s11], $0x2780  }
0x14: {  	s15 =	sor.u32 s16, s15;
	[sflag:s11] =	ssyncset.done $0x0  }
0x15: {  	s15 =	sshrl.u32 s15, $0x3;
	[sflag:s11] =	ssyncadd.s32 $0xFFFFD880  }
0x16: {  	s15 =	sadd.s32 s0, s15;
	[bflag:$0x0] =	sbarrier.arrive $0xFFFF  }
0x17: {  	[tilespmem:s4], [sflag:$0x1] =	stream.linear.gather [hbm4b:s15+s4], $0x80, $0x38;
	[tilespmem:$0x17C80] =	vst v63  }
0x18: {  	_ =	swait.ge [sflag:s11], $0x80  }
0x19: {  	s30 =	simm.s32 $0x80;
	[sflag:s11] =	ssyncset.done $0x0  }
0x1a: {  	s31 =	sand.u32 $0x3C00, s30;
	[sflag:s11] =	ssyncadd.s32 $0xFFFFFF80  }
0x1b: {  	[spmem:s3] =	stream.indirect.scatter.add.f32 [tilespmem:s10], [sflag:$0x1], $0x80, s4, s10, $0xb8;
	[tilespmem:$0x17C80] =	vst v63  }
0x1c: {  	s17 =	sand.u32 $0x380, s30;
	s16 =	sadd.s32 s7, s31;
	_ =	swait.ge [sflag:s11], $0x4000  }
0x1d: {  	s16 =	sor.u32 s17, s16;
	s15 =	simm.s32 $0x100;
	[sflag:s11] =	ssyncset.done $0x0  }
.LBB2_2:
0x1e: {  	s16 =	sshrl.u32 s16, $0x3  }
0x1f: {  	[sflag:s11] =	ssyncadd.s32 $0xFFFFC000;
	s17 =	smov.u32 s15;
	s18 =	sadd.s32 $0x80, s15  }
0x20: {  	p0 =	sne.s32 s15, $0x2780;
	s15 =	sadd.s32 s0, s16  }
0x21: {  	[tilespmem:s4], [sflag:$0x1] =	stream.linear.gather [hbm4b:s15+s4], $0x80, $0x38;
	[tilespmem:$0x17C80] =	vst v63  }
0x22: {  	_ =	swait.ge [sflag:s11], $0x80  }
.Ltmp0:
0x23: {  	[sflag:s11] =	ssyncset.done $0x0;
	(pc) =	sbr.rel @p0 .LBB2_2-.Ltmp0, $4  }
0x24: {  	s15 =	sand.u32 $0x3C00, s17;
	[sflag:s11] =	ssyncadd.s32 $0xFFFFFF80  }
0x25: {  	[spmem:s3] =	stream.indirect.scatter.add.f32 [tilespmem:s10], [sflag:$0x1], $0x80, s4, s10, $0xb8;
	[tilespmem:$0x17C80] =	vst v63  }
0x26: {  	s16 =	sand.u32 $0x380, s17;
	s15 =	sadd.s32 s7, s15;
	_ =	swait.ge [sflag:s11], $0x4000  }
0x27: {  	s16 =	sor.u32 s16, s15;
	s15 =	smov.u32 s18;
	[sflag:s11] =	ssyncset.done $0x0  }
0x28: {  	s15 =	sshrl.u32 s16, $0x3  }
0x29: {  	[sflag:s11] =	ssyncadd.s32 $0xFFFFC000;
	s15 =	sadd.s32 s0, s15  }
0x2a: {  	[tilespmem:s4], [sflag:$0x1] =	stream.linear.gather [hbm4b:s15+s4], $0x80, $0x38;
	[tilespmem:$0x17C80] =	vst v63  }
0x2b: {  	_ =	swait.ge [sflag:s11], $0x80  }
0x2c: {  	[sflag:s11] =	ssyncset.done $0x0  }
0x2d: {  	[sflag:s11] =	ssyncadd.s32 $0xFFFFFF80  }
0x2e: {  	[spmem:s3] =	stream.indirect.scatter.add.f32 [tilespmem:s10], [sflag:$0x1], $0x80, s4, s10, $0xb8;
	[tilespmem:$0x17C80] =	vst v63  }
0x2f: {  	_ =	swait.ge [sflag:s11], $0x4000  }
0x30: {  	s14 =	sadd.s32 $0x1, s14;
	[sflag:s11] =	ssyncset.done $0x0  }
0x31: {  	p0 =	sne.s32 s14, s9;
	[sflag:s11] =	ssyncadd.s32 $0xFFFFC000  }
.Ltmp1:
0x32: {  	[bflag:$0x0] =	sbarrier.arrive $0xFFFF;
	(pc) =	sbr.rel @p0 .LBB2_1-.Ltmp1, $4  }
0x33: {  	[hbm:s8], [sflag:s12] =	dma.local [spmem:s13], $0x2780  }
0x34: {  	_ =	swait.ge [sflag:s11], $0x2780  }
0x35: {  	[sflag:s11] =	ssyncset.done $0x0  }
0x36: {  	[sflag:s11] =	ssyncadd.s32 $0xFFFFD880  }
0x37: {  	_ =	sfence.sel $0x180000  }
0x38: {  	[bflag:$0x0] =	sbarrier.arrive $0xFFFF  }
0x39: {  	p0 =	sne.s32 s2, $0x0;
	_ =	strace $0x90000047  }
0x3a: {  	s0 =	sadd.s32 @!p0 $0x100000, s1;
	[bflag:$0x2] =	sbarrier.arrive $0xFFFF  }
0x3b: {  	[sflag:s0] =	ssyncadd.tile.s32 @!p0 $0x1;
	_ =	shalt  }
.Lfunc_end2:
_tile_overlayer_lowered:
.L_overlay_start_2:
0x3c: {  	(tag) =	ssettag $0x2  }
0x3d: {  	s0 =	rddreg [dreg:$0x0];
	s2 =	stileid.u32  }
0x3e: {  	s1 =	rddreg [dreg:$0x1];
	p0 =	sne.s32 s2, $0x0  }
0x3f: {  	s3 =	rddreg [dreg:$0x2];
	[bflag:$0x3] =	sbarrier.arrive $0xFFFF;
	s2 =	simm.s32 @!p0 $0x1C01  }
0x40: {  	[timem:s3], [sflag:s2] =	dma.local @!p0 [hbm:s0], s1  }
0x41: {  	s0 =	simm.s32 @!p0 $0x1  }
0x42: {  	_ =	swait.ge @!p0 [sflag:s0], s1  }
0x43: {  	s1 =	ssub.s32 @!p0 $0x0, s1;
	[sflag:s0] =	ssyncset.done @!p0 $0x0  }
0x44: {  	[sflag:s0] =	ssyncadd.s32 @!p0 s1  }
0x45: {  	[bflag:$0x3] =	sbarrier.arrive $0xFFFF  }
0x46: {  	_ =	shalt  }

</sc_bundles>
